<compile_context>
chip_gen: v7x
topology: tpu7x:2x2x1
jax: 0.10.2.dev20260603
libtpu: 0.0.44.dev20260713+nightly
codegen_flags: <defaults>
</compile_context>

<pallas_src>
import functools

import jax
import jax.numpy as jnp
from jax import lax
from jax.experimental import pallas as pl
from jax.experimental.pallas import tpu as pltpu
from jax.experimental.pallas import tpu_sc as plsc

D = 128
DM = 2 * D
B = 16384

NC = 2
NS = 16
NW = NC * NS
CHW = 128
CHN = 128
SLICES = (8192, 8192)


def _sc_gather(sbase, nrows, inputs, eu_gmf, ei_gmf, eu_mlp, ei_mlp):
  mesh = plsc.VectorSubcoreMesh(core_axis_name="c", subcore_axis_name="s")
  bpw = nrows // NW

  @functools.partial(
      pl.kernel,
      out_type=(
          jax.ShapeDtypeStruct((nrows, DM), jnp.float32),
          jax.ShapeDtypeStruct((nrows, DM), jnp.float32),
          jax.ShapeDtypeStruct((nrows, D), jnp.float32),
          jax.ShapeDtypeStruct((nrows, D), jnp.float32),
      ),
      mesh=mesh,
      scratch_types=[
          pltpu.VMEM((bpw,), jnp.int32),
          pltpu.VMEM((bpw,), jnp.int32),
          pltpu.VMEM((CHW, DM), jnp.float32),
          pltpu.VMEM((CHW, DM), jnp.float32),
          pltpu.VMEM((CHN, D), jnp.float32),
          pltpu.VMEM((CHN, D), jnp.float32),
          pltpu.SemaphoreType.DMA,
          pltpu.SemaphoreType.DMA,
          pltpu.SemaphoreType.DMA,
          pltpu.SemaphoreType.DMA,
      ],
  )
  def body(idx_hbm, eu_gmf_h, ei_gmf_h, eu_mlp_h, ei_mlp_h,
           um_out, im_out, ug_out, ig_out,
           idx_u, idx_s, bw0, bw1, bn0, bn1, sw0, sw1, sn0, sn1):
    wid = lax.axis_index("s") * NC + lax.axis_index("c")
    base = wid * bpw
    du = pltpu.async_copy(idx_hbm.at[0, pl.ds(sbase + base, bpw)], idx_u, sn0)
    ds = pltpu.async_copy(idx_hbm.at[1, pl.ds(sbase + base, bpw)], idx_s, sn1)
    du.wait()
    ds.wait()

    tasks = []
    for tbl, idx, out, ch, bufs, sems in (
        (eu_mlp_h, idx_u, um_out, CHW, (bw0, bw1), (sw0, sw1)),
        (ei_mlp_h, idx_s, im_out, CHW, (bw0, bw1), (sw0, sw1)),
        (eu_gmf_h, idx_u, ug_out, CHN, (bn0, bn1), (sn0, sn1)),
        (ei_gmf_h, idx_s, ig_out, CHN, (bn0, bn1), (sn0, sn1)),
    ):
      for ci in range(bpw // ch):
        tasks.append((tbl, idx, out, ch, ci, bufs, sems))
    slot_of = {}
    counters = {}
    for t, (_, _, _, ch, _, _, _) in enumerate(tasks):
      slot_of[t] = counters.get(ch, 0) % 2
      counters[ch] = counters.get(ch, 0) + 1
    descs = [None] * len(tasks)

    def start(t):
      tbl, idx, out, ch, ci, bufs, sems = tasks[t]
      s = slot_of[t]
      descs[t] = pltpu.async_copy(
          tbl.at[idx.at[pl.ds(ci * ch, ch)]], bufs[s], sems[s], priority=1)

    start(0)
    for t in range(len(tasks)):
      if t + 1 < len(tasks):
        start(t + 1)
      descs[t].wait()
      _, _, out, ch, ci, bufs, _ = tasks[t]
      pltpu.sync_copy(bufs[slot_of[t]], out.at[pl.ds(base + ci * ch, ch)])

  return body(inputs, eu_gmf, ei_gmf, eu_mlp, ei_mlp)


def _dense_body(um_ref, im_ref, ug_ref, ig_ref,
                w1u_ref, w1i_ref, b1_ref, w2_ref, b2_ref, wp_ref, bp_ref,
                *rest):
  emb_ref, y_ref = rest[-2], rest[-1]
  bf = jnp.bfloat16
  h = jnp.dot(um_ref[...].astype(bf), w1u_ref[...].astype(bf),
              preferred_element_type=jnp.float32)
  h += jnp.dot(im_ref[...].astype(bf), w1i_ref[...].astype(bf),
               preferred_element_type=jnp.float32)
  h = jnp.maximum(h + b1_ref[...], 0.0)
  h2 = jnp.dot(h.astype(bf), w2_ref[...].astype(bf),
               preferred_element_type=jnp.float32)
  h2 = jnp.maximum(h2 + b2_ref[...], 0.0)
  gmf = ug_ref[...] * ig_ref[...]
  emb = jnp.concatenate([gmf, h2], axis=-1)
  emb_ref[...] = emb
  y_ref[...] = jnp.sum(emb * wp_ref[...], axis=-1) + bp_ref[0]


def _tc_dense_slice(row_off, nrows, um, im, ug, ig,
                    w1u, w1i, b1r, w2, b2r, wpr, bpr, emb_in, y_in):
  bs = 2048
  nblk = nrows // bs
  in_specs = [
      pl.BlockSpec((bs, DM), lambda i: (i, 0)),
      pl.BlockSpec((bs, DM), lambda i: (i, 0)),
      pl.BlockSpec((bs, D), lambda i: (i, 0)),
      pl.BlockSpec((bs, D), lambda i: (i, 0)),
      pl.BlockSpec((DM, DM), lambda i: (0, 0)),
      pl.BlockSpec((DM, DM), lambda i: (0, 0)),
      pl.BlockSpec((1, DM), lambda i: (0, 0)),
      pl.BlockSpec((DM, D), lambda i: (0, 0)),
      pl.BlockSpec((1, D), lambda i: (0, 0)),
      pl.BlockSpec((1, DM), lambda i: (0, 0)),
      pl.BlockSpec(memory_space=pltpu.SMEM),
  ]
  args = [um, im, ug, ig, w1u, w1i, b1r, w2, b2r, wpr, bpr]
  aliases = {}
  if row_off > 0:
    in_specs += [pl.BlockSpec(memory_space=pl.ANY),
                 pl.BlockSpec(memory_space=pl.ANY)]
    args += [emb_in, y_in]
    aliases = {11: 0, 12: 1}
  off = row_off // bs
  return pl.pallas_call(
      _dense_body,
      grid=(nblk,),
      in_specs=in_specs,
      out_specs=[
          pl.BlockSpec((bs, DM), lambda i: (i + off, 0)),
          pl.BlockSpec((bs,), lambda i: (i + off,)),
      ],
      out_shape=[
          jax.ShapeDtypeStruct((B, DM), jnp.float32),
          jax.ShapeDtypeStruct((B,), jnp.float32),
      ],
      input_output_aliases=aliases,
  )(*args)


def kernel(inputs, eu_gmf, ei_gmf, eu_mlp, ei_mlp, W1, b1, W2, b2, Wp, bp):
  w1t = W1.T
  w1u = w1t[:DM]
  w1i = w1t[DM:]
  w2 = W2.T
  b1r = b1.reshape(1, -1)
  b2r = b2.reshape(1, -1)
  wpr = Wp.reshape(1, -1)
  bpr = bp.reshape(1)
  emb, y = None, None
  off = 0
  for nrows in SLICES:
    um, im, ug, ig = _sc_gather(off, nrows, inputs,
                                eu_gmf, ei_gmf, eu_mlp, ei_mlp)
    emb, y = _tc_dense_slice(off, nrows, um, im, ug, ig,
                             w1u, w1i, b1r, w2, b2r, wpr, bpr, emb, y)
    off += nrows
  return emb, y

# --- scband reference (transcript-rebuilt; emitter-appended) ---
"""Pipeline reference for scband-model-88330297409770 (READ-ONLY COPY).

The authoritative reference and input builder live on the scoring server;
editing this copy changes nothing except your own understanding.
"""

import jax, jax.numpy as jnp
import numpy as np

U = 100000
S = 100000
D = 128          # dimension (GMF dim)
DM = 2 * D       # dimension_mlp = dimension * 2**(num_layers-1) with num_layers=2
B = 16384


def setup_inputs(seed: int = 0) -> dict:
    key = jax.random.key(seed)
    ks = jax.random.split(key, 12)
    # forward arg: packed (userIdx, servIdx) as a [2, B] int tensor; forward unpacks it
    inputs = jax.random.randint(ks[0], (2, B), 0, U, dtype=jnp.int32)
    # learned parameters
    eu_gmf = jax.random.normal(ks[1], (U, D), dtype=jnp.float32) * 0.01
    ei_gmf = jax.random.normal(ks[2], (S, D), dtype=jnp.float32) * 0.01
    eu_mlp = jax.random.normal(ks[3], (U, DM), dtype=jnp.float32) * 0.01
    ei_mlp = jax.random.normal(ks[4], (S, DM), dtype=jnp.float32) * 0.01
    # MLP layer 0: Linear(4D -> 2D); layer 1: Linear(2D -> D)  (torch Linear: y = x @ W.T + b)
    W1 = jax.random.normal(ks[5], (2 * D, 4 * D), dtype=jnp.float32) * 0.02
    b1 = jnp.zeros((2 * D,), dtype=jnp.float32)
    W2 = jax.random.normal(ks[6], (D, 2 * D), dtype=jnp.float32) * 0.02
    b2 = jnp.zeros((D,), dtype=jnp.float32)
    # predict_layer: Linear(2D -> 1)
    Wp = jax.random.normal(ks[7], (1, 2 * D), dtype=jnp.float32) * 0.02
    bp = jnp.zeros((1,), dtype=jnp.float32)
    return {"inputs": inputs, "eu_gmf": eu_gmf, "ei_gmf": ei_gmf,
            "eu_mlp": eu_mlp, "ei_mlp": ei_mlp,
            "W1": W1, "b1": b1, "W2": W2, "b2": b2, "Wp": Wp, "bp": bp}


def reference(inputs, eu_gmf, ei_gmf, eu_mlp, ei_mlp, W1, b1, W2, b2, Wp, bp):
    # Model.forward -> NeuCF(userIdx, servIdx); returns (embeds, y_base.flatten())
    userIdx = inputs[0]
    servIdx = inputs[1]
    # embedding gathers
    user_embed = jnp.take(eu_gmf, userIdx, axis=0)
    item_embed = jnp.take(ei_gmf, servIdx, axis=0)
    embed_user_MLP = jnp.take(eu_mlp, userIdx, axis=0)
    embed_item_MLP = jnp.take(ei_mlp, servIdx, axis=0)
    # GMF branch
    gmf_output = user_embed * item_embed
    # MLP branch (Dropout is identity in eval mode)
    mlp_input = jnp.concatenate([embed_user_MLP, embed_item_MLP], axis=-1)  # [B, 4D]
    h = jax.nn.relu(mlp_input @ W1.T + b1)  # [B, 2D]
    h = jax.nn.relu(h @ W2.T + b2)          # [B, D]
    embeds = jnp.concatenate([gmf_output, h], axis=-1)  # [B, 2D]
    y_base = embeds @ Wp.T + bp             # [B, 1]
    return embeds, y_base.reshape(-1)

if __name__ == "__main__":
    import jax
    _d = setup_inputs()
    print(jax.jit(kernel)(*tuple(_d.values())))

</pallas_src>

<mosaic_0001>
#map = affine_map<(d0, d1) -> (0, 0)>
module attributes {stable_mosaic.version = 14 : i64} {
  func.func @body(%arg0: i32, %arg1: i32, %arg2: memref<2x16384xi32, #tpu.memory_space<hbm>>, %arg3: memref<100000x128xf32, #tpu.memory_space<hbm>>, %arg4: memref<100000x128xf32, #tpu.memory_space<hbm>>, %arg5: memref<100000x256xf32, #tpu.memory_space<hbm>>, %arg6: memref<100000x256xf32, #tpu.memory_space<hbm>>, %arg7: memref<8192x256xf32, #tpu.memory_space<hbm>>, %arg8: memref<8192x256xf32, #tpu.memory_space<hbm>>, %arg9: memref<8192x128xf32, #tpu.memory_space<hbm>>, %arg10: memref<8192x128xf32, #tpu.memory_space<hbm>>, %arg11: memref<256xi32, #tpu.memory_space<vmem>>, %arg12: memref<256xi32, #tpu.memory_space<vmem>>, %arg13: memref<128x256xf32, #tpu.memory_space<vmem>>, %arg14: memref<128x256xf32, #tpu.memory_space<vmem>>, %arg15: memref<128x128xf32, #tpu.memory_space<vmem>>, %arg16: memref<128x128xf32, #tpu.memory_space<vmem>>, %arg17: memref<!tpu.dma_semaphore, #tpu.memory_space<semaphore_mem>>, %arg18: memref<!tpu.dma_semaphore, #tpu.memory_space<semaphore_mem>>, %arg19: memref<!tpu.dma_semaphore, #tpu.memory_space<semaphore_mem>>, %arg20: memref<!tpu.dma_semaphore, #tpu.memory_space<semaphore_mem>>) attributes {dimension_semantics = [#tpu.dimension_semantics<core_parallel>, #tpu.dimension_semantics<subcore_parallel>], iteration_bounds = array<i64: 2, 16>, scalar_prefetch = 0 : i64, scratch_operands = 10 : i64, tpu.core_type = #tpu.core_type<sc_vector_subcore>, window_params = [{transform_indices = #map}, {transform_indices = #map}, {transform_indices = #map}, {transform_indices = #map}, {transform_indices = #map}, {transform_indices = #map}, {transform_indices = #map}, {transform_indices = #map}, {transform_indices = #map}]} {
    %mul3A = arith.constant 2 : i32
    %mul3A_0 = arith.muli %arg1, %mul3A : i32
    %add3A = arith.addi %mul3A_0, %arg0 : i32
    %mul3A_1 = arith.constant 256 : i32
    %mul3A_2 = arith.muli %add3A, %mul3A_1 : i32
    %add3A_3 = arith.constant 8192 : i32
    %add3A_4 = arith.addi %add3A_3, %mul3A_2 : i32
    %dma_start3A = arith.constant 0 : i32
    %dma_start3A_5 = tpu.memref_slice %arg2[%dma_start3A, %add3A_4] : memref<2x16384xi32, #tpu.memory_space<hbm>> -> memref<1x256xi32, #tpu.memory_space<hbm>>
    %dma_start3A_6 = tpu.memref_squeeze %dma_start3A_5 : memref<1x256xi32, #tpu.memory_space<hbm>> -> memref<256xi32, #tpu.memory_space<hbm>>
    %dma_start3A_7 = tpu.memref_slice %arg2[%dma_start3A, %add3A_4] : memref<2x16384xi32, #tpu.memory_space<hbm>> -> memref<1x256xi32, #tpu.memory_space<hbm>>
    %dma_start3A_8 = tpu.memref_squeeze %dma_start3A_7 : memref<1x256xi32, #tpu.memory_space<hbm>> -> memref<256xi32, #tpu.memory_space<hbm>>
    tpu.enqueue_dma source(%dma_start3A_8 : memref<256xi32, #tpu.memory_space<hbm>>) target(%arg11 : memref<256xi32, #tpu.memory_space<vmem>>) target_semaphore(%arg19 : memref<!tpu.dma_semaphore, #tpu.memory_space<semaphore_mem>>)
    %add3A_9 = arith.constant 8192 : i32
    %add3A_10 = arith.addi %add3A_9, %mul3A_2 : i32
    %dma_start3A_11 = arith.constant 1 : i32
    %dma_start3A_12 = tpu.memref_slice %arg2[%dma_start3A_11, %add3A_10] : memref<2x16384xi32, #tpu.memory_space<hbm>> -> memref<1x256xi32, #tpu.memory_space<hbm>>
    %dma_start3A_13 = tpu.memref_squeeze %dma_start3A_12 : memref<1x256xi32, #tpu.memory_space<hbm>> -> memref<256xi32, #tpu.memory_space<hbm>>
    %dma_start3A_14 = tpu.memref_slice %arg2[%dma_start3A_11, %add3A_10] : memref<2x16384xi32, #tpu.memory_space<hbm>> -> memref<1x256xi32, #tpu.memory_space<hbm>>
    %dma_start3A_15 = tpu.memref_squeeze %dma_start3A_14 : memref<1x256xi32, #tpu.memory_space<hbm>> -> memref<256xi32, #tpu.memory_space<hbm>>
    tpu.enqueue_dma source(%dma_start3A_15 : memref<256xi32, #tpu.memory_space<hbm>>) target(%arg12 : memref<256xi32, #tpu.memory_space<vmem>>) target_semaphore(%arg20 : memref<!tpu.dma_semaphore, #tpu.memory_space<semaphore_mem>>)
    %dma_wait3A = arith.constant 0 : i32
    %dma_wait3A_16 = tpu.memref_slice %arg2[%dma_wait3A, %add3A_4] : memref<2x16384xi32, #tpu.memory_space<hbm>> -> memref<1x256xi32, #tpu.memory_space<hbm>>
    %dma_wait3A_17 = tpu.memref_squeeze %dma_wait3A_16 : memref<1x256xi32, #tpu.memory_space<hbm>> -> memref<256xi32, #tpu.memory_space<hbm>>
    %dma_wait3A_18 = tpu.memref_slice %arg2[%dma_wait3A, %add3A_4] : memref<2x16384xi32, #tpu.memory_space<hbm>> -> memref<1x256xi32, #tpu.memory_space<hbm>>
    %dma_wait3A_19 = tpu.memref_squeeze %dma_wait3A_18 : memref<1x256xi32, #tpu.memory_space<hbm>> -> memref<256xi32, #tpu.memory_space<hbm>>
    tpu.wait_dma2 semaphore(%arg19 : memref<!tpu.dma_semaphore, #tpu.memory_space<semaphore_mem>>) src(%dma_wait3A_19 : memref<256xi32, #tpu.memory_space<hbm>>) dst(%arg11 : memref<256xi32, #tpu.memory_space<vmem>>)
    %dma_wait3A_20 = arith.constant 1 : i32
    %dma_wait3A_21 = tpu.memref_slice %arg2[%dma_wait3A_20, %add3A_10] : memref<2x16384xi32, #tpu.memory_space<hbm>> -> memref<1x256xi32, #tpu.memory_space<hbm>>
    %dma_wait3A_22 = tpu.memref_squeeze %dma_wait3A_21 : memref<1x256xi32, #tpu.memory_space<hbm>> -> memref<256xi32, #tpu.memory_space<hbm>>
    %dma_wait3A_23 = tpu.memref_slice %arg2[%dma_wait3A_20, %add3A_10] : memref<2x16384xi32, #tpu.memory_space<hbm>> -> memref<1x256xi32, #tpu.memory_space<hbm>>
    %dma_wait3A_24 = tpu.memref_squeeze %dma_wait3A_23 : memref<1x256xi32, #tpu.memory_space<hbm>> -> memref<256xi32, #tpu.memory_space<hbm>>
    tpu.wait_dma2 semaphore(%arg20 : memref<!tpu.dma_semaphore, #tpu.memory_space<semaphore_mem>>) src(%dma_wait3A_24 : memref<256xi32, #tpu.memory_space<hbm>>) dst(%arg12 : memref<256xi32, #tpu.memory_space<vmem>>)
    %dma_start3A_25 = arith.constant 0 : i32
    %dma_start3A_26 = tpu.memref_slice %arg11[%dma_start3A_25] : memref<256xi32, #tpu.memory_space<vmem>> -> memref<128xi32, #tpu.memory_space<vmem>>
    %dma_start3A_27 = arith.constant 0 : i32
    %dma_start3A_28 = arith.constant 0 : i32
    %dma_start3A_29 = tpu.memref_slice %arg5[%dma_start3A_27, %dma_start3A_28] : memref<100000x256xf32, #tpu.memory_space<hbm>> -> memref<100000x256xf32, #tpu.memory_space<hbm>>
    tpu.enqueue_indirect_dma source(%dma_start3A_29 : memref<100000x256xf32, #tpu.memory_space<hbm>>) target(%arg13 : memref<128x256xf32, #tpu.memory_space<vmem>>) offsets(%dma_start3A_26 : memref<128xi32, #tpu.memory_space<vmem>>) semaphore(%arg17 : memref<!tpu.dma_semaphore, #tpu.memory_space<semaphore_mem>>)
    %dma_start3A_30 = arith.constant 128 : i32
    %dma_start3A_31 = tpu.memref_slice %arg11[%dma_start3A_30] : memref<256xi32, #tpu.memory_space<vmem>> -> memref<128xi32, #tpu.memory_space<vmem>>
    %dma_start3A_32 = arith.constant 0 : i32
    %dma_start3A_33 = arith.constant 0 : i32
    %dma_start3A_34 = tpu.memref_slice %arg5[%dma_start3A_32, %dma_start3A_33] : memref<100000x256xf32, #tpu.memory_space<hbm>> -> memref<100000x256xf32, #tpu.memory_space<hbm>>
    tpu.enqueue_indirect_dma source(%dma_start3A_34 : memref<100000x256xf32, #tpu.memory_space<hbm>>) target(%arg14 : memref<128x256xf32, #tpu.memory_space<vmem>>) offsets(%dma_start3A_31 : memref<128xi32, #tpu.memory_space<vmem>>) semaphore(%arg18 : memref<!tpu.dma_semaphore, #tpu.memory_space<semaphore_mem>>)
    %dma_wait3A_35 = arith.constant 0 : i32
    %dma_wait3A_36 = tpu.memref_slice %arg11[%dma_wait3A_35] : memref<256xi32, #tpu.memory_space<vmem>> -> memref<128xi32, #tpu.memory_space<vmem>>
    %dma_wait3A_37 = arith.constant 0 : i32
    %dma_wait3A_38 = arith.constant 0 : i32
    %dma_wait3A_39 = tpu.memref_slice %arg5[%dma_wait3A_37, %dma_wait3A_38] : memref<100000x256xf32, #tpu.memory_space<hbm>> -> memref<100000x256xf32, #tpu.memory_space<hbm>>
    tpu.wait_indirect_dma semaphore(%arg17 : memref<!tpu.dma_semaphore, #tpu.memory_space<semaphore_mem>>) src(%dma_wait3A_39 : memref<100000x256xf32, #tpu.memory_space<hbm>>) dst(%arg13 : memref<128x256xf32, #tpu.memory_space<vmem>>)
    %add3A_40 = arith.constant 0 : i32
    %add3A_41 = arith.addi %mul3A_2, %add3A_40 : i32
    "tpu.region"() ({
      %run_scoped3A = tpu.sem_alloc : memref<!tpu.dma_semaphore, #tpu.memory_space<semaphore_mem>>
      %dma_start3A_121 = arith.constant 0 : i32
      %dma_start3A_122 = tpu.memref_slice %arg7[%add3A_41, %dma_start3A_121] : memref<8192x256xf32, #tpu.memory_space<hbm>> -> memref<128x256xf32, #tpu.memory_space<hbm>>
      %dma_start3A_123 = arith.constant 0 : i32
      %dma_start3A_124 = tpu.memref_slice %arg7[%add3A_41, %dma_start3A_123] : memref<8192x256xf32, #tpu.memory_space<hbm>> -> memref<128x256xf32, #tpu.memory_space<hbm>>
      tpu.enqueue_dma source(%arg13 : memref<128x256xf32, #tpu.memory_space<vmem>>) target(%dma_start3A_124 : memref<128x256xf32, #tpu.memory_space<hbm>>) target_semaphore(%run_scoped3A : memref<!tpu.dma_semaphore, #tpu.memory_space<semaphore_mem>>)
      %dma_wait3A_125 = arith.constant 0 : i32
      %dma_wait3A_126 = tpu.memref_slice %arg7[%add3A_41, %dma_wait3A_125] : memref<8192x256xf32, #tpu.memory_space<hbm>> -> memref<128x256xf32, #tpu.memory_space<hbm>>
      %dma_wait3A_127 = arith.constant 0 : i32
      %dma_wait3A_128 = tpu.memref_slice %arg7[%add3A_41, %dma_wait3A_127] : memref<8192x256xf32, #tpu.memory_space<hbm>> -> memref<128x256xf32, #tpu.memory_space<hbm>>
      tpu.wait_dma2 semaphore(%run_scoped3A : memref<!tpu.dma_semaphore, #tpu.memory_space<semaphore_mem>>) src(%arg13 : memref<128x256xf32, #tpu.memory_space<vmem>>) dst(%dma_wait3A_128 : memref<128x256xf32, #tpu.memory_space<hbm>>)
      tpu.yield
    }) : () -> ()
    %dma_start3A_42 = arith.constant 0 : i32
    %dma_start3A_43 = tpu.memref_slice %arg12[%dma_start3A_42] : memref<256xi32, #tpu.memory_space<vmem>> -> memref<128xi32, #tpu.memory_space<vmem>>
    %dma_start3A_44 = arith.constant 0 : i32
    %dma_start3A_45 = arith.constant 0 : i32
    %dma_start3A_46 = tpu.memref_slice %arg6[%dma_start3A_44, %dma_start3A_45] : memref<100000x256xf32, #tpu.memory_space<hbm>> -> memref<100000x256xf32, #tpu.memory_space<hbm>>
    tpu.enqueue_indirect_dma source(%dma_start3A_46 : memref<100000x256xf32, #tpu.memory_space<hbm>>) target(%arg13 : memref<128x256xf32, #tpu.memory_space<vmem>>) offsets(%dma_start3A_43 : memref<128xi32, #tpu.memory_space<vmem>>) semaphore(%arg17 : memref<!tpu.dma_semaphore, #tpu.memory_space<semaphore_mem>>)
    %dma_wait3A_47 = arith.constant 128 : i32
    %dma_wait3A_48 = tpu.memref_slice %arg11[%dma_wait3A_47] : memref<256xi32, #tpu.memory_space<vmem>> -> memref<128xi32, #tpu.memory_space<vmem>>
    %dma_wait3A_49 = arith.constant 0 : i32
    %dma_wait3A_50 = arith.constant 0 : i32
    %dma_wait3A_51 = tpu.memref_slice %arg5[%dma_wait3A_49, %dma_wait3A_50] : memref<100000x256xf32, #tpu.memory_space<hbm>> -> memref<100000x256xf32, #tpu.memory_space<hbm>>
    tpu.wait_indirect_dma semaphore(%arg18 : memref<!tpu.dma_semaphore, #tpu.memory_space<semaphore_mem>>) src(%dma_wait3A_51 : memref<100000x256xf32, #tpu.memory_space<hbm>>) dst(%arg14 : memref<128x256xf32, #tpu.memory_space<vmem>>)
    %add3A_52 = arith.constant 128 : i32
    %add3A_53 = arith.addi %mul3A_2, %add3A_52 : i32
    "tpu.region"() ({
      %run_scoped3A = tpu.sem_alloc : memref<!tpu.dma_semaphore, #tpu.memory_space<semaphore_mem>>
      %dma_start3A_121 = arith.constant 0 : i32
      %dma_start3A_122 = tpu.memref_slice %arg7[%add3A_53, %dma_start3A_121] : memref<8192x256xf32, #tpu.memory_space<hbm>> -> memref<128x256xf32, #tpu.memory_space<hbm>>
      %dma_start3A_123 = arith.constant 0 : i32
      %dma_start3A_124 = tpu.memref_slice %arg7[%add3A_53, %dma_start3A_123] : memref<8192x256xf32, #tpu.memory_space<hbm>> -> memref<128x256xf32, #tpu.memory_space<hbm>>
      tpu.enqueue_dma source(%arg14 : memref<128x256xf32, #tpu.memory_space<vmem>>) target(%dma_start3A_124 : memref<128x256xf32, #tpu.memory_space<hbm>>) target_semaphore(%run_scoped3A : memref<!tpu.dma_semaphore, #tpu.memory_space<semaphore_mem>>)
      %dma_wait3A_125 = arith.constant 0 : i32
      %dma_wait3A_126 = tpu.memref_slice %arg7[%add3A_53, %dma_wait3A_125] : memref<8192x256xf32, #tpu.memory_space<hbm>> -> memref<128x256xf32, #tpu.memory_space<hbm>>
      %dma_wait3A_127 = arith.constant 0 : i32
      %dma_wait3A_128 = tpu.memref_slice %arg7[%add3A_53, %dma_wait3A_127] : memref<8192x256xf32, #tpu.memory_space<hbm>> -> memref<128x256xf32, #tpu.memory_space<hbm>>
      tpu.wait_dma2 semaphore(%run_scoped3A : memref<!tpu.dma_semaphore, #tpu.memory_space<semaphore_mem>>) src(%arg14 : memref<128x256xf32, #tpu.memory_space<vmem>>) dst(%dma_wait3A_128 : memref<128x256xf32, #tpu.memory_space<hbm>>)
      tpu.yield
    }) : () -> ()
    %dma_start3A_54 = arith.constant 128 : i32
    %dma_start3A_55 = tpu.memref_slice %arg12[%dma_start3A_54] : memref<256xi32, #tpu.memory_space<vmem>> -> memref<128xi32, #tpu.memory_space<vmem>>
    %dma_start3A_56 = arith.constant 0 : i32
    %dma_start3A_57 = arith.constant 0 : i32
    %dma_start3A_58 = tpu.memref_slice %arg6[%dma_start3A_56, %dma_start3A_57] : memref<100000x256xf32, #tpu.memory_space<hbm>> -> memref<100000x256xf32, #tpu.memory_space<hbm>>
    tpu.enqueue_indirect_dma source(%dma_start3A_58 : memref<100000x256xf32, #tpu.memory_space<hbm>>) target(%arg14 : memref<128x256xf32, #tpu.memory_space<vmem>>) offsets(%dma_start3A_55 : memref<128xi32, #tpu.memory_space<vmem>>) semaphore(%arg18 : memref<!tpu.dma_semaphore, #tpu.memory_space<semaphore_mem>>)
    %dma_wait3A_59 = arith.constant 0 : i32
    %dma_wait3A_60 = tpu.memref_slice %arg12[%dma_wait3A_59] : memref<256xi32, #tpu.memory_space<vmem>> -> memref<128xi32, #tpu.memory_space<vmem>>
    %dma_wait3A_61 = arith.constant 0 : i32
    %dma_wait3A_62 = arith.constant 0 : i32
    %dma_wait3A_63 = tpu.memref_slice %arg6[%dma_wait3A_61, %dma_wait3A_62] : memref<100000x256xf32, #tpu.memory_space<hbm>> -> memref<100000x256xf32, #tpu.memory_space<hbm>>
    tpu.wait_indirect_dma semaphore(%arg17 : memref<!tpu.dma_semaphore, #tpu.memory_space<semaphore_mem>>) src(%dma_wait3A_63 : memref<100000x256xf32, #tpu.memory_space<hbm>>) dst(%arg13 : memref<128x256xf32, #tpu.memory_space<vmem>>)
    %add3A_64 = arith.constant 0 : i32
    %add3A_65 = arith.addi %mul3A_2, %add3A_64 : i32
    "tpu.region"() ({
      %run_scoped3A = tpu.sem_alloc : memref<!tpu.dma_semaphore, #tpu.memory_space<semaphore_mem>>
      %dma_start3A_121 = arith.constant 0 : i32
      %dma_start3A_122 = tpu.memref_slice %arg8[%add3A_65, %dma_start3A_121] : memref<8192x256xf32, #tpu.memory_space<hbm>> -> memref<128x256xf32, #tpu.memory_space<hbm>>
      %dma_start3A_123 = arith.constant 0 : i32
      %dma_start3A_124 = tpu.memref_slice %arg8[%add3A_65, %dma_start3A_123] : memref<8192x256xf32, #tpu.memory_space<hbm>> -> memref<128x256xf32, #tpu.memory_space<hbm>>
      tpu.enqueue_dma source(%arg13 : memref<128x256xf32, #tpu.memory_space<vmem>>) target(%dma_start3A_124 : memref<128x256xf32, #tpu.memory_space<hbm>>) target_semaphore(%run_scoped3A : memref<!tpu.dma_semaphore, #tpu.memory_space<semaphore_mem>>)
      %dma_wait3A_125 = arith.constant 0 : i32
      %dma_wait3A_126 = tpu.memref_slice %arg8[%add3A_65, %dma_wait3A_125] : memref<8192x256xf32, #tpu.memory_space<hbm>> -> memref<128x256xf32, #tpu.memory_space<hbm>>
      %dma_wait3A_127 = arith.constant 0 : i32
      %dma_wait3A_128 = tpu.memref_slice %arg8[%add3A_65, %dma_wait3A_127] : memref<8192x256xf32, #tpu.memory_space<hbm>> -> memref<128x256xf32, #tpu.memory_space<hbm>>
      tpu.wait_dma2 semaphore(%run_scoped3A : memref<!tpu.dma_semaphore, #tpu.memory_space<semaphore_mem>>) src(%arg13 : memref<128x256xf32, #tpu.memory_space<vmem>>) dst(%dma_wait3A_128 : memref<128x256xf32, #tpu.memory_space<hbm>>)
      tpu.yield
    }) : () -> ()
    %dma_start3A_66 = arith.constant 0 : i32
    %dma_start3A_67 = tpu.memref_slice %arg11[%dma_start3A_66] : memref<256xi32, #tpu.memory_space<vmem>> -> memref<128xi32, #tpu.memory_space<vmem>>
    %dma_start3A_68 = arith.constant 0 : i32
    %dma_start3A_69 = arith.constant 0 : i32
    %dma_start3A_70 = tpu.memref_slice %arg3[%dma_start3A_68, %dma_start3A_69] : memref<100000x128xf32, #tpu.memory_space<hbm>> -> memref<100000x128xf32, #tpu.memory_space<hbm>>
    tpu.enqueue_indirect_dma source(%dma_start3A_70 : memref<100000x128xf32, #tpu.memory_space<hbm>>) target(%arg15 : memref<128x128xf32, #tpu.memory_space<vmem>>) offsets(%dma_start3A_67 : memref<128xi32, #tpu.memory_space<vmem>>) semaphore(%arg19 : memref<!tpu.dma_semaphore, #tpu.memory_space<semaphore_mem>>)
    %dma_wait3A_71 = arith.constant 128 : i32
    %dma_wait3A_72 = tpu.memref_slice %arg12[%dma_wait3A_71] : memref<256xi32, #tpu.memory_space<vmem>> -> memref<128xi32, #tpu.memory_space<vmem>>
    %dma_wait3A_73 = arith.constant 0 : i32
    %dma_wait3A_74 = arith.constant 0 : i32
    %dma_wait3A_75 = tpu.memref_slice %arg6[%dma_wait3A_73, %dma_wait3A_74] : memref<100000x256xf32, #tpu.memory_space<hbm>> -> memref<100000x256xf32, #tpu.memory_space<hbm>>
    tpu.wait_indirect_dma semaphore(%arg18 : memref<!tpu.dma_semaphore, #tpu.memory_space<semaphore_mem>>) src(%dma_wait3A_75 : memref<100000x256xf32, #tpu.memory_space<hbm>>) dst(%arg14 : memref<128x256xf32, #tpu.memory_space<vmem>>)
    %add3A_76 = arith.constant 128 : i32
    %add3A_77 = arith.addi %mul3A_2, %add3A_76 : i32
    "tpu.region"() ({
      %run_scoped3A = tpu.sem_alloc : memref<!tpu.dma_semaphore, #tpu.memory_space<semaphore_mem>>
      %dma_start3A_121 = arith.constant 0 : i32
      %dma_start3A_122 = tpu.memref_slice %arg8[%add3A_77, %dma_start3A_121] : memref<8192x256xf32, #tpu.memory_space<hbm>> -> memref<128x256xf32, #tpu.memory_space<hbm>>
      %dma_start3A_123 = arith.constant 0 : i32
      %dma_start3A_124 = tpu.memref_slice %arg8[%add3A_77, %dma_start3A_123] : memref<8192x256xf32, #tpu.memory_space<hbm>> -> memref<128x256xf32, #tpu.memory_space<hbm>>
      tpu.enqueue_dma source(%arg14 : memref<128x256xf32, #tpu.memory_space<vmem>>) target(%dma_start3A_124 : memref<128x256xf32, #tpu.memory_space<hbm>>) target_semaphore(%run_scoped3A : memref<!tpu.dma_semaphore, #tpu.memory_space<semaphore_mem>>)
      %dma_wait3A_125 = arith.constant 0 : i32
      %dma_wait3A_126 = tpu.memref_slice %arg8[%add3A_77, %dma_wait3A_125] : memref<8192x256xf32, #tpu.memory_space<hbm>> -> memref<128x256xf32, #tpu.memory_space<hbm>>
      %dma_wait3A_127 = arith.constant 0 : i32
      %dma_wait3A_128 = tpu.memref_slice %arg8[%add3A_77, %dma_wait3A_127] : memref<8192x256xf32, #tpu.memory_space<hbm>> -> memref<128x256xf32, #tpu.memory_space<hbm>>
      tpu.wait_dma2 semaphore(%run_scoped3A : memref<!tpu.dma_semaphore, #tpu.memory_space<semaphore_mem>>) src(%arg14 : memref<128x256xf32, #tpu.memory_space<vmem>>) dst(%dma_wait3A_128 : memref<128x256xf32, #tpu.memory_space<hbm>>)
      tpu.yield
    }) : () -> ()
    %dma_start3A_78 = arith.constant 128 : i32
    %dma_start3A_79 = tpu.memref_slice %arg11[%dma_start3A_78] : memref<256xi32, #tpu.memory_space<vmem>> -> memref<128xi32, #tpu.memory_space<vmem>>
    %dma_start3A_80 = arith.constant 0 : i32
    %dma_start3A_81 = arith.constant 0 : i32
    %dma_start3A_82 = tpu.memref_slice %arg3[%dma_start3A_80, %dma_start3A_81] : memref<100000x128xf32, #tpu.memory_space<hbm>> -> memref<100000x128xf32, #tpu.memory_space<hbm>>
    tpu.enqueue_indirect_dma source(%dma_start3A_82 : memref<100000x128xf32, #tpu.memory_space<hbm>>) target(%arg16 : memref<128x128xf32, #tpu.memory_space<vmem>>) offsets(%dma_start3A_79 : memref<128xi32, #tpu.memory_space<vmem>>) semaphore(%arg20 : memref<!tpu.dma_semaphore, #tpu.memory_space<semaphore_mem>>)
    %dma_wait3A_83 = arith.constant 0 : i32
    %dma_wait3A_84 = tpu.memref_slice %arg11[%dma_wait3A_83] : memref<256xi32, #tpu.memory_space<vmem>> -> memref<128xi32, #tpu.memory_space<vmem>>
    %dma_wait3A_85 = arith.constant 0 : i32
    %dma_wait3A_86 = arith.constant 0 : i32
    %dma_wait3A_87 = tpu.memref_slice %arg3[%dma_wait3A_85, %dma_wait3A_86] : memref<100000x128xf32, #tpu.memory_space<hbm>> -> memref<100000x128xf32, #tpu.memory_space<hbm>>
    tpu.wait_indirect_dma semaphore(%arg19 : memref<!tpu.dma_semaphore, #tpu.memory_space<semaphore_mem>>) src(%dma_wait3A_87 : memref<100000x128xf32, #tpu.memory_space<hbm>>) dst(%arg15 : memref<128x128xf32, #tpu.memory_space<vmem>>)
    %add3A_88 = arith.constant 0 : i32
    %add3A_89 = arith.addi %mul3A_2, %add3A_88 : i32
    "tpu.region"() ({
      %run_scoped3A = tpu.sem_alloc : memref<!tpu.dma_semaphore, #tpu.memory_space<semaphore_mem>>
      %dma_start3A_121 = arith.constant 0 : i32
      %dma_start3A_122 = tpu.memref_slice %arg9[%add3A_89, %dma_start3A_121] : memref<8192x128xf32, #tpu.memory_space<hbm>> -> memref<128x128xf32, #tpu.memory_space<hbm>>
      %dma_start3A_123 = arith.constant 0 : i32
      %dma_start3A_124 = tpu.memref_slice %arg9[%add3A_89, %dma_start3A_123] : memref<8192x128xf32, #tpu.memory_space<hbm>> -> memref<128x128xf32, #tpu.memory_space<hbm>>
      tpu.enqueue_dma source(%arg15 : memref<128x128xf32, #tpu.memory_space<vmem>>) target(%dma_start3A_124 : memref<128x128xf32, #tpu.memory_space<hbm>>) target_semaphore(%run_scoped3A : memref<!tpu.dma_semaphore, #tpu.memory_space<semaphore_mem>>)
      %dma_wait3A_125 = arith.constant 0 : i32
      %dma_wait3A_126 = tpu.memref_slice %arg9[%add3A_89, %dma_wait3A_125] : memref<8192x128xf32, #tpu.memory_space<hbm>> -> memref<128x128xf32, #tpu.memory_space<hbm>>
      %dma_wait3A_127 = arith.constant 0 : i32
      %dma_wait3A_128 = tpu.memref_slice %arg9[%add3A_89, %dma_wait3A_127] : memref<8192x128xf32, #tpu.memory_space<hbm>> -> memref<128x128xf32, #tpu.memory_space<hbm>>
      tpu.wait_dma2 semaphore(%run_scoped3A : memref<!tpu.dma_semaphore, #tpu.memory_space<semaphore_mem>>) src(%arg15 : memref<128x128xf32, #tpu.memory_space<vmem>>) dst(%dma_wait3A_128 : memref<128x128xf32, #tpu.memory_space<hbm>>)
      tpu.yield
    }) : () -> ()
    %dma_start3A_90 = arith.constant 0 : i32
    %dma_start3A_91 = tpu.memref_slice %arg12[%dma_start3A_90] : memref<256xi32, #tpu.memory_space<vmem>> -> memref<128xi32, #tpu.memory_space<vmem>>
    %dma_start3A_92 = arith.constant 0 : i32
    %dma_start3A_93 = arith.constant 0 : i32
    %dma_start3A_94 = tpu.memref_slice %arg4[%dma_start3A_92, %dma_start3A_93] : memref<100000x128xf32, #tpu.memory_space<hbm>> -> memref<100000x128xf32, #tpu.memory_space<hbm>>
    tpu.enqueue_indirect_dma source(%dma_start3A_94 : memref<100000x128xf32, #tpu.memory_space<hbm>>) target(%arg15 : memref<128x128xf32, #tpu.memory_space<vmem>>) offsets(%dma_start3A_91 : memref<128xi32, #tpu.memory_space<vmem>>) semaphore(%arg19 : memref<!tpu.dma_semaphore, #tpu.memory_space<semaphore_mem>>)
    %dma_wait3A_95 = arith.constant 128 : i32
    %dma_wait3A_96 = tpu.memref_slice %arg11[%dma_wait3A_95] : memref<256xi32, #tpu.memory_space<vmem>> -> memref<128xi32, #tpu.memory_space<vmem>>
    %dma_wait3A_97 = arith.constant 0 : i32
    %dma_wait3A_98 = arith.constant 0 : i32
    %dma_wait3A_99 = tpu.memref_slice %arg3[%dma_wait3A_97, %dma_wait3A_98] : memref<100000x128xf32, #tpu.memory_space<hbm>> -> memref<100000x128xf32, #tpu.memory_space<hbm>>
    tpu.wait_indirect_dma semaphore(%arg20 : memref<!tpu.dma_semaphore, #tpu.memory_space<semaphore_mem>>) src(%dma_wait3A_99 : memref<100000x128xf32, #tpu.memory_space<hbm>>) dst(%arg16 : memref<128x128xf32, #tpu.memory_space<vmem>>)
    %add3A_100 = arith.constant 128 : i32
    %add3A_101 = arith.addi %mul3A_2, %add3A_100 : i32
    "tpu.region"() ({
      %run_scoped3A = tpu.sem_alloc : memref<!tpu.dma_semaphore, #tpu.memory_space<semaphore_mem>>
      %dma_start3A_121 = arith.constant 0 : i32
      %dma_start3A_122 = tpu.memref_slice %arg9[%add3A_101, %dma_start3A_121] : memref<8192x128xf32, #tpu.memory_space<hbm>> -> memref<128x128xf32, #tpu.memory_space<hbm>>
      %dma_start3A_123 = arith.constant 0 : i32
      %dma_start3A_124 = tpu.memref_slice %arg9[%add3A_101, %dma_start3A_123] : memref<8192x128xf32, #tpu.memory_space<hbm>> -> memref<128x128xf32, #tpu.memory_space<hbm>>
      tpu.enqueue_dma source(%arg16 : memref<128x128xf32, #tpu.memory_space<vmem>>) target(%dma_start3A_124 : memref<128x128xf32, #tpu.memory_space<hbm>>) target_semaphore(%run_scoped3A : memref<!tpu.dma_semaphore, #tpu.memory_space<semaphore_mem>>)
      %dma_wait3A_125 = arith.constant 0 : i32
      %dma_wait3A_126 = tpu.memref_slice %arg9[%add3A_101, %dma_wait3A_125] : memref<8192x128xf32, #tpu.memory_space<hbm>> -> memref<128x128xf32, #tpu.memory_space<hbm>>
      %dma_wait3A_127 = arith.constant 0 : i32
      %dma_wait3A_128 = tpu.memref_slice %arg9[%add3A_101, %dma_wait3A_127] : memref<8192x128xf32, #tpu.memory_space<hbm>> -> memref<128x128xf32, #tpu.memory_space<hbm>>
      tpu.wait_dma2 semaphore(%run_scoped3A : memref<!tpu.dma_semaphore, #tpu.memory_space<semaphore_mem>>) src(%arg16 : memref<128x128xf32, #tpu.memory_space<vmem>>) dst(%dma_wait3A_128 : memref<128x128xf32, #tpu.memory_space<hbm>>)
      tpu.yield
    }) : () -> ()
    %dma_start3A_102 = arith.constant 128 : i32
    %dma_start3A_103 = tpu.memref_slice %arg12[%dma_start3A_102] : memref<256xi32, #tpu.memory_space<vmem>> -> memref<128xi32, #tpu.memory_space<vmem>>
    %dma_start3A_104 = arith.constant 0 : i32
    %dma_start3A_105 = arith.constant 0 : i32
    %dma_start3A_106 = tpu.memref_slice %arg4[%dma_start3A_104, %dma_start3A_105] : memref<100000x128xf32, #tpu.memory_space<hbm>> -> memref<100000x128xf32, #tpu.memory_space<hbm>>
    tpu.enqueue_indirect_dma source(%dma_start3A_106 : memref<100000x128xf32, #tpu.memory_space<hbm>>) target(%arg16 : memref<128x128xf32, #tpu.memory_space<vmem>>) offsets(%dma_start3A_103 : memref<128xi32, #tpu.memory_space<vmem>>) semaphore(%arg20 : memref<!tpu.dma_semaphore, #tpu.memory_space<semaphore_mem>>)
    %dma_wait3A_107 = arith.constant 0 : i32
    %dma_wait3A_108 = tpu.memref_slice %arg12[%dma_wait3A_107] : memref<256xi32, #tpu.memory_space<vmem>> -> memref<128xi32, #tpu.memory_space<vmem>>
    %dma_wait3A_109 = arith.constant 0 : i32
    %dma_wait3A_110 = arith.constant 0 : i32
    %dma_wait3A_111 = tpu.memref_slice %arg4[%dma_wait3A_109, %dma_wait3A_110] : memref<100000x128xf32, #tpu.memory_space<hbm>> -> memref<100000x128xf32, #tpu.memory_space<hbm>>
    tpu.wait_indirect_dma semaphore(%arg19 : memref<!tpu.dma_semaphore, #tpu.memory_space<semaphore_mem>>) src(%dma_wait3A_111 : memref<100000x128xf32, #tpu.memory_space<hbm>>) dst(%arg15 : memref<128x128xf32, #tpu.memory_space<vmem>>)
    %add3A_112 = arith.constant 0 : i32
    %add3A_113 = arith.addi %mul3A_2, %add3A_112 : i32
    "tpu.region"() ({
      %run_scoped3A = tpu.sem_alloc : memref<!tpu.dma_semaphore, #tpu.memory_space<semaphore_mem>>
      %dma_start3A_121 = arith.constant 0 : i32
      %dma_start3A_122 = tpu.memref_slice %arg10[%add3A_113, %dma_start3A_121] : memref<8192x128xf32, #tpu.memory_space<hbm>> -> memref<128x128xf32, #tpu.memory_space<hbm>>
      %dma_start3A_123 = arith.constant 0 : i32
      %dma_start3A_124 = tpu.memref_slice %arg10[%add3A_113, %dma_start3A_123] : memref<8192x128xf32, #tpu.memory_space<hbm>> -> memref<128x128xf32, #tpu.memory_space<hbm>>
      tpu.enqueue_dma source(%arg15 : memref<128x128xf32, #tpu.memory_space<vmem>>) target(%dma_start3A_124 : memref<128x128xf32, #tpu.memory_space<hbm>>) target_semaphore(%run_scoped3A : memref<!tpu.dma_semaphore, #tpu.memory_space<semaphore_mem>>)
      %dma_wait3A_125 = arith.constant 0 : i32
      %dma_wait3A_126 = tpu.memref_slice %arg10[%add3A_113, %dma_wait3A_125] : memref<8192x128xf32, #tpu.memory_space<hbm>> -> memref<128x128xf32, #tpu.memory_space<hbm>>
      %dma_wait3A_127 = arith.constant 0 : i32
      %dma_wait3A_128 = tpu.memref_slice %arg10[%add3A_113, %dma_wait3A_127] : memref<8192x128xf32, #tpu.memory_space<hbm>> -> memref<128x128xf32, #tpu.memory_space<hbm>>
      tpu.wait_dma2 semaphore(%run_scoped3A : memref<!tpu.dma_semaphore, #tpu.memory_space<semaphore_mem>>) src(%arg15 : memref<128x128xf32, #tpu.memory_space<vmem>>) dst(%dma_wait3A_128 : memref<128x128xf32, #tpu.memory_space<hbm>>)
      tpu.yield
    }) : () -> ()
    %dma_wait3A_114 = arith.constant 128 : i32
    %dma_wait3A_115 = tpu.memref_slice %arg12[%dma_wait3A_114] : memref<256xi32, #tpu.memory_space<vmem>> -> memref<128xi32, #tpu.memory_space<vmem>>
    %dma_wait3A_116 = arith.constant 0 : i32
    %dma_wait3A_117 = arith.constant 0 : i32
    %dma_wait3A_118 = tpu.memref_slice %arg4[%dma_wait3A_116, %dma_wait3A_117] : memref<100000x128xf32, #tpu.memory_space<hbm>> -> memref<100000x128xf32, #tpu.memory_space<hbm>>
    tpu.wait_indirect_dma semaphore(%arg20 : memref<!tpu.dma_semaphore, #tpu.memory_space<semaphore_mem>>) src(%dma_wait3A_118 : memref<100000x128xf32, #tpu.memory_space<hbm>>) dst(%arg16 : memref<128x128xf32, #tpu.memory_space<vmem>>)
    %add3A_119 = arith.constant 128 : i32
    %add3A_120 = arith.addi %mul3A_2, %add3A_119 : i32
    "tpu.region"() ({
      %run_scoped3A = tpu.sem_alloc : memref<!tpu.dma_semaphore, #tpu.memory_space<semaphore_mem>>
      %dma_start3A_121 = arith.constant 0 : i32
      %dma_start3A_122 = tpu.memref_slice %arg10[%add3A_120, %dma_start3A_121] : memref<8192x128xf32, #tpu.memory_space<hbm>> -> memref<128x128xf32, #tpu.memory_space<hbm>>
      %dma_start3A_123 = arith.constant 0 : i32
      %dma_start3A_124 = tpu.memref_slice %arg10[%add3A_120, %dma_start3A_123] : memref<8192x128xf32, #tpu.memory_space<hbm>> -> memref<128x128xf32, #tpu.memory_space<hbm>>
      tpu.enqueue_dma source(%arg16 : memref<128x128xf32, #tpu.memory_space<vmem>>) target(%dma_start3A_124 : memref<128x128xf32, #tpu.memory_space<hbm>>) target_semaphore(%run_scoped3A : memref<!tpu.dma_semaphore, #tpu.memory_space<semaphore_mem>>)
      %dma_wait3A_125 = arith.constant 0 : i32
      %dma_wait3A_126 = tpu.memref_slice %arg10[%add3A_120, %dma_wait3A_125] : memref<8192x128xf32, #tpu.memory_space<hbm>> -> memref<128x128xf32, #tpu.memory_space<hbm>>
      %dma_wait3A_127 = arith.constant 0 : i32
      %dma_wait3A_128 = tpu.memref_slice %arg10[%add3A_120, %dma_wait3A_127] : memref<8192x128xf32, #tpu.memory_space<hbm>> -> memref<128x128xf32, #tpu.memory_space<hbm>>
      tpu.wait_dma2 semaphore(%run_scoped3A : memref<!tpu.dma_semaphore, #tpu.memory_space<semaphore_mem>>) src(%arg16 : memref<128x128xf32, #tpu.memory_space<vmem>>) dst(%dma_wait3A_128 : memref<128x128xf32, #tpu.memory_space<hbm>>)
      tpu.yield
    }) : () -> ()
    return
  }
}

#map = affine_map<(d0, d1) -> (0, 0)>
module attributes {stable_mosaic.version = 14 : i64} {
  func.func @body(%arg0: i32, %arg1: i32, %arg2: memref<2x16384xi32, #tpu.memory_space<hbm>>, %arg3: memref<100000x128xf32, #tpu.memory_space<hbm>>, %arg4: memref<100000x128xf32, #tpu.memory_space<hbm>>, %arg5: memref<100000x256xf32, #tpu.memory_space<hbm>>, %arg6: memref<100000x256xf32, #tpu.memory_space<hbm>>, %arg7: memref<8192x256xf32, #tpu.memory_space<hbm>>, %arg8: memref<8192x256xf32, #tpu.memory_space<hbm>>, %arg9: memref<8192x128xf32, #tpu.memory_space<hbm>>, %arg10: memref<8192x128xf32, #tpu.memory_space<hbm>>, %arg11: memref<256xi32, #tpu.memory_space<vmem>>, %arg12: memref<256xi32, #tpu.memory_space<vmem>>, %arg13: memref<128x256xf32, #tpu.memory_space<vmem>>, %arg14: memref<128x256xf32, #tpu.memory_space<vmem>>, %arg15: memref<128x128xf32, #tpu.memory_space<vmem>>, %arg16: memref<128x128xf32, #tpu.memory_space<vmem>>, %arg17: memref<!tpu.dma_semaphore, #tpu.memory_space<semaphore_mem>>, %arg18: memref<!tpu.dma_semaphore, #tpu.memory_space<semaphore_mem>>, %arg19: memref<!tpu.dma_semaphore, #tpu.memory_space<semaphore_mem>>, %arg20: memref<!tpu.dma_semaphore, #tpu.memory_space<semaphore_mem>>) attributes {dimension_semantics = [#tpu.dimension_semantics<core_parallel>, #tpu.dimension_semantics<subcore_parallel>], iteration_bounds = array<i64: 2, 16>, scalar_prefetch = 0 : i64, scratch_operands = 10 : i64, tpu.core_type = #tpu.core_type<sc_vector_subcore>, window_params = [{transform_indices = #map}, {transform_indices = #map}, {transform_indices = #map}, {transform_indices = #map}, {transform_indices = #map}, {transform_indices = #map}, {transform_indices = #map}, {transform_indices = #map}, {transform_indices = #map}]} {
    %mul3A = arith.constant 2 : i32
    %mul3A_0 = arith.muli %arg1, %mul3A : i32
    %add3A = arith.addi %mul3A_0, %arg0 : i32
    %mul3A_1 = arith.constant 256 : i32
    %mul3A_2 = arith.muli %add3A, %mul3A_1 : i32
    %add3A_3 = arith.constant 0 : i32
    %add3A_4 = arith.addi %add3A_3, %mul3A_2 : i32
    %dma_start3A = arith.constant 0 : i32
    %dma_start3A_5 = tpu.memref_slice %arg2[%dma_start3A, %add3A_4] : memref<2x16384xi32, #tpu.memory_space<hbm>> -> memref<1x256xi32, #tpu.memory_space<hbm>>
    %dma_start3A_6 = tpu.memref_squeeze %dma_start3A_5 : memref<1x256xi32, #tpu.memory_space<hbm>> -> memref<256xi32, #tpu.memory_space<hbm>>
    %dma_start3A_7 = tpu.memref_slice %arg2[%dma_start3A, %add3A_4] : memref<2x16384xi32, #tpu.memory_space<hbm>> -> memref<1x256xi32, #tpu.memory_space<hbm>>
    %dma_start3A_8 = tpu.memref_squeeze %dma_start3A_7 : memref<1x256xi32, #tpu.memory_space<hbm>> -> memref<256xi32, #tpu.memory_space<hbm>>
    tpu.enqueue_dma source(%dma_start3A_8 : memref<256xi32, #tpu.memory_space<hbm>>) target(%arg11 : memref<256xi32, #tpu.memory_space<vmem>>) target_semaphore(%arg19 : memref<!tpu.dma_semaphore, #tpu.memory_space<semaphore_mem>>)
    %add3A_9 = arith.constant 0 : i32
    %add3A_10 = arith.addi %add3A_9, %mul3A_2 : i32
    %dma_start3A_11 = arith.constant 1 : i32
    %dma_start3A_12 = tpu.memref_slice %arg2[%dma_start3A_11, %add3A_10] : memref<2x16384xi32, #tpu.memory_space<hbm>> -> memref<1x256xi32, #tpu.memory_space<hbm>>
    %dma_start3A_13 = tpu.memref_squeeze %dma_start3A_12 : memref<1x256xi32, #tpu.memory_space<hbm>> -> memref<256xi32, #tpu.memory_space<hbm>>
    %dma_start3A_14 = tpu.memref_slice %arg2[%dma_start3A_11, %add3A_10] : memref<2x16384xi32, #tpu.memory_space<hbm>> -> memref<1x256xi32, #tpu.memory_space<hbm>>
    %dma_start3A_15 = tpu.memref_squeeze %dma_start3A_14 : memref<1x256xi32, #tpu.memory_space<hbm>> -> memref<256xi32, #tpu.memory_space<hbm>>
    tpu.enqueue_dma source(%dma_start3A_15 : memref<256xi32, #tpu.memory_space<hbm>>) target(%arg12 : memref<256xi32, #tpu.memory_space<vmem>>) target_semaphore(%arg20 : memref<!tpu.dma_semaphore, #tpu.memory_space<semaphore_mem>>)
    %dma_wait3A = arith.constant 0 : i32
    %dma_wait3A_16 = tpu.memref_slice %arg2[%dma_wait3A, %add3A_4] : memref<2x16384xi32, #tpu.memory_space<hbm>> -> memref<1x256xi32, #tpu.memory_space<hbm>>
    %dma_wait3A_17 = tpu.memref_squeeze %dma_wait3A_16 : memref<1x256xi32, #tpu.memory_space<hbm>> -> memref<256xi32, #tpu.memory_space<hbm>>
    %dma_wait3A_18 = tpu.memref_slice %arg2[%dma_wait3A, %add3A_4] : memref<2x16384xi32, #tpu.memory_space<hbm>> -> memref<1x256xi32, #tpu.memory_space<hbm>>
    %dma_wait3A_19 = tpu.memref_squeeze %dma_wait3A_18 : memref<1x256xi32, #tpu.memory_space<hbm>> -> memref<256xi32, #tpu.memory_space<hbm>>
    tpu.wait_dma2 semaphore(%arg19 : memref<!tpu.dma_semaphore, #tpu.memory_space<semaphore_mem>>) src(%dma_wait3A_19 : memref<256xi32, #tpu.memory_space<hbm>>) dst(%arg11 : memref<256xi32, #tpu.memory_space<vmem>>)
    %dma_wait3A_20 = arith.constant 1 : i32
    %dma_wait3A_21 = tpu.memref_slice %arg2[%dma_wait3A_20, %add3A_10] : memref<2x16384xi32, #tpu.memory_space<hbm>> -> memref<1x256xi32, #tpu.memory_space<hbm>>
    %dma_wait3A_22 = tpu.memref_squeeze %dma_wait3A_21 : memref<1x256xi32, #tpu.memory_space<hbm>> -> memref<256xi32, #tpu.memory_space<hbm>>
    %dma_wait3A_23 = tpu.memref_slice %arg2[%dma_wait3A_20, %add3A_10] : memref<2x16384xi32, #tpu.memory_space<hbm>> -> memref<1x256xi32, #tpu.memory_space<hbm>>
    %dma_wait3A_24 = tpu.memref_squeeze %dma_wait3A_23 : memref<1x256xi32, #tpu.memory_space<hbm>> -> memref<256xi32, #tpu.memory_space<hbm>>
    tpu.wait_dma2 semaphore(%arg20 : memref<!tpu.dma_semaphore, #tpu.memory_space<semaphore_mem>>) src(%dma_wait3A_24 : memref<256xi32, #tpu.memory_space<hbm>>) dst(%arg12 : memref<256xi32, #tpu.memory_space<vmem>>)
    %dma_start3A_25 = arith.constant 0 : i32
    %dma_start3A_26 = tpu.memref_slice %arg11[%dma_start3A_25] : memref<256xi32, #tpu.memory_space<vmem>> -> memref<128xi32, #tpu.memory_space<vmem>>
    %dma_start3A_27 = arith.constant 0 : i32
    %dma_start3A_28 = arith.constant 0 : i32
    %dma_start3A_29 = tpu.memref_slice %arg5[%dma_start3A_27, %dma_start3A_28] : memref<100000x256xf32, #tpu.memory_space<hbm>> -> memref<100000x256xf32, #tpu.memory_space<hbm>>
    tpu.enqueue_indirect_dma source(%dma_start3A_29 : memref<100000x256xf32, #tpu.memory_space<hbm>>) target(%arg13 : memref<128x256xf32, #tpu.memory_space<vmem>>) offsets(%dma_start3A_26 : memref<128xi32, #tpu.memory_space<vmem>>) semaphore(%arg17 : memref<!tpu.dma_semaphore, #tpu.memory_space<semaphore_mem>>)
    %dma_start3A_30 = arith.constant 128 : i32
    %dma_start3A_31 = tpu.memref_slice %arg11[%dma_start3A_30] : memref<256xi32, #tpu.memory_space<vmem>> -> memref<128xi32, #tpu.memory_space<vmem>>
    %dma_start3A_32 = arith.constant 0 : i32
    %dma_start3A_33 = arith.constant 0 : i32
    %dma_start3A_34 = tpu.memref_slice %arg5[%dma_start3A_32, %dma_start3A_33] : memref<100000x256xf32, #tpu.memory_space<hbm>> -> memref<100000x256xf32, #tpu.memory_space<hbm>>
    tpu.enqueue_indirect_dma source(%dma_start3A_34 : memref<100000x256xf32, #tpu.memory_space<hbm>>) target(%arg14 : memref<128x256xf32, #tpu.memory_space<vmem>>) offsets(%dma_start3A_31 : memref<128xi32, #tpu.memory_space<vmem>>) semaphore(%arg18 : memref<!tpu.dma_semaphore, #tpu.memory_space<semaphore_mem>>)
    %dma_wait3A_35 = arith.constant 0 : i32
    %dma_wait3A_36 = tpu.memref_slice %arg11[%dma_wait3A_35] : memref<256xi32, #tpu.memory_space<vmem>> -> memref<128xi32, #tpu.memory_space<vmem>>
    %dma_wait3A_37 = arith.constant 0 : i32
    %dma_wait3A_38 = arith.constant 0 : i32
    %dma_wait3A_39 = tpu.memref_slice %arg5[%dma_wait3A_37, %dma_wait3A_38] : memref<100000x256xf32, #tpu.memory_space<hbm>> -> memref<100000x256xf32, #tpu.memory_space<hbm>>
    tpu.wait_indirect_dma semaphore(%arg17 : memref<!tpu.dma_semaphore, #tpu.memory_space<semaphore_mem>>) src(%dma_wait3A_39 : memref<100000x256xf32, #tpu.memory_space<hbm>>) dst(%arg13 : memref<128x256xf32, #tpu.memory_space<vmem>>)
    %add3A_40 = arith.constant 0 : i32
    %add3A_41 = arith.addi %mul3A_2, %add3A_40 : i32
    "tpu.region"() ({
      %run_scoped3A = tpu.sem_alloc : memref<!tpu.dma_semaphore, #tpu.memory_space<semaphore_mem>>
      %dma_start3A_121 = arith.constant 0 : i32
      %dma_start3A_122 = tpu.memref_slice %arg7[%add3A_41, %dma_start3A_121] : memref<8192x256xf32, #tpu.memory_space<hbm>> -> memref<128x256xf32, #tpu.memory_space<hbm>>
      %dma_start3A_123 = arith.constant 0 : i32
      %dma_start3A_124 = tpu.memref_slice %arg7[%add3A_41, %dma_start3A_123] : memref<8192x256xf32, #tpu.memory_space<hbm>> -> memref<128x256xf32, #tpu.memory_space<hbm>>
      tpu.enqueue_dma source(%arg13 : memref<128x256xf32, #tpu.memory_space<vmem>>) target(%dma_start3A_124 : memref<128x256xf32, #tpu.memory_space<hbm>>) target_semaphore(%run_scoped3A : memref<!tpu.dma_semaphore, #tpu.memory_space<semaphore_mem>>)
      %dma_wait3A_125 = arith.constant 0 : i32
      %dma_wait3A_126 = tpu.memref_slice %arg7[%add3A_41, %dma_wait3A_125] : memref<8192x256xf32, #tpu.memory_space<hbm>> -> memref<128x256xf32, #tpu.memory_space<hbm>>
      %dma_wait3A_127 = arith.constant 0 : i32
      %dma_wait3A_128 = tpu.memref_slice %arg7[%add3A_41, %dma_wait3A_127] : memref<8192x256xf32, #tpu.memory_space<hbm>> -> memref<128x256xf32, #tpu.memory_space<hbm>>
      tpu.wait_dma2 semaphore(%run_scoped3A : memref<!tpu.dma_semaphore, #tpu.memory_space<semaphore_mem>>) src(%arg13 : memref<128x256xf32, #tpu.memory_space<vmem>>) dst(%dma_wait3A_128 : memref<128x256xf32, #tpu.memory_space<hbm>>)
      tpu.yield
    }) : () -> ()
    %dma_start3A_42 = arith.constant 0 : i32
    %dma_start3A_43 = tpu.memref_slice %arg12[%dma_start3A_42] : memref<256xi32, #tpu.memory_space<vmem>> -> memref<128xi32, #tpu.memory_space<vmem>>
    %dma_start3A_44 = arith.constant 0 : i32
    %dma_start3A_45 = arith.constant 0 : i32
    %dma_start3A_46 = tpu.memref_slice %arg6[%dma_start3A_44, %dma_start3A_45] : memref<100000x256xf32, #tpu.memory_space<hbm>> -> memref<100000x256xf32, #tpu.memory_space<hbm>>
    tpu.enqueue_indirect_dma source(%dma_start3A_46 : memref<100000x256xf32, #tpu.memory_space<hbm>>) target(%arg13 : memref<128x256xf32, #tpu.memory_space<vmem>>) offsets(%dma_start3A_43 : memref<128xi32, #tpu.memory_space<vmem>>) semaphore(%arg17 : memref<!tpu.dma_semaphore, #tpu.memory_space<semaphore_mem>>)
    %dma_wait3A_47 = arith.constant 128 : i32
    %dma_wait3A_48 = tpu.memref_slice %arg11[%dma_wait3A_47] : memref<256xi32, #tpu.memory_space<vmem>> -> memref<128xi32, #tpu.memory_space<vmem>>
    %dma_wait3A_49 = arith.constant 0 : i32
    %dma_wait3A_50 = arith.constant 0 : i32
    %dma_wait3A_51 = tpu.memref_slice %arg5[%dma_wait3A_49, %dma_wait3A_50] : memref<100000x256xf32, #tpu.memory_space<hbm>> -> memref<100000x256xf32, #tpu.memory_space<hbm>>
    tpu.wait_indirect_dma semaphore(%arg18 : memref<!tpu.dma_semaphore, #tpu.memory_space<semaphore_mem>>) src(%dma_wait3A_51 : memref<100000x256xf32, #tpu.memory_space<hbm>>) dst(%arg14 : memref<128x256xf32, #tpu.memory_space<vmem>>)
    %add3A_52 = arith.constant 128 : i32
    %add3A_53 = arith.addi %mul3A_2, %add3A_52 : i32
    "tpu.region"() ({
      %run_scoped3A = tpu.sem_alloc : memref<!tpu.dma_semaphore, #tpu.memory_space<semaphore_mem>>
      %dma_start3A_121 = arith.constant 0 : i32
      %dma_start3A_122 = tpu.memref_slice %arg7[%add3A_53, %dma_start3A_121] : memref<8192x256xf32, #tpu.memory_space<hbm>> -> memref<128x256xf32, #tpu.memory_space<hbm>>
      %dma_start3A_123 = arith.constant 0 : i32
      %dma_start3A_124 = tpu.memref_slice %arg7[%add3A_53, %dma_start3A_123] : memref<8192x256xf32, #tpu.memory_space<hbm>> -> memref<128x256xf32, #tpu.memory_space<hbm>>
      tpu.enqueue_dma source(%arg14 : memref<128x256xf32, #tpu.memory_space<vmem>>) target(%dma_start3A_124 : memref<128x256xf32, #tpu.memory_space<hbm>>) target_semaphore(%run_scoped3A : memref<!tpu.dma_semaphore, #tpu.memory_space<semaphore_mem>>)
      %dma_wait3A_125 = arith.constant 0 : i32
      %dma_wait3A_126 = tpu.memref_slice %arg7[%add3A_53, %dma_wait3A_125] : memref<8192x256xf32, #tpu.memory_space<hbm>> -> memref<128x256xf32, #tpu.memory_space<hbm>>
      %dma_wait3A_127 = arith.constant 0 : i32
      %dma_wait3A_128 = tpu.memref_slice %arg7[%add3A_53, %dma_wait3A_127] : memref<8192x256xf32, #tpu.memory_space<hbm>> -> memref<128x256xf32, #tpu.memory_space<hbm>>
      tpu.wait_dma2 semaphore(%run_scoped3A : memref<!tpu.dma_semaphore, #tpu.memory_space<semaphore_mem>>) src(%arg14 : memref<128x256xf32, #tpu.memory_space<vmem>>) dst(%dma_wait3A_128 : memref<128x256xf32, #tpu.memory_space<hbm>>)
      tpu.yield
    }) : () -> ()
    %dma_start3A_54 = arith.constant 128 : i32
    %dma_start3A_55 = tpu.memref_slice %arg12[%dma_start3A_54] : memref<256xi32, #tpu.memory_space<vmem>> -> memref<128xi32, #tpu.memory_space<vmem>>
    %dma_start3A_56 = arith.constant 0 : i32
    %dma_start3A_57 = arith.constant 0 : i32
    %dma_start3A_58 = tpu.memref_slice %arg6[%dma_start3A_56, %dma_start3A_57] : memref<100000x256xf32, #tpu.memory_space<hbm>> -> memref<100000x256xf32, #tpu.memory_space<hbm>>
    tpu.enqueue_indirect_dma source(%dma_start3A_58 : memref<100000x256xf32, #tpu.memory_space<hbm>>) target(%arg14 : memref<128x256xf32, #tpu.memory_space<vmem>>) offsets(%dma_start3A_55 : memref<128xi32, #tpu.memory_space<vmem>>) semaphore(%arg18 : memref<!tpu.dma_semaphore, #tpu.memory_space<semaphore_mem>>)
    %dma_wait3A_59 = arith.constant 0 : i32
    %dma_wait3A_60 = tpu.memref_slice %arg12[%dma_wait3A_59] : memref<256xi32, #tpu.memory_space<vmem>> -> memref<128xi32, #tpu.memory_space<vmem>>
    %dma_wait3A_61 = arith.constant 0 : i32
    %dma_wait3A_62 = arith.constant 0 : i32
    %dma_wait3A_63 = tpu.memref_slice %arg6[%dma_wait3A_61, %dma_wait3A_62] : memref<100000x256xf32, #tpu.memory_space<hbm>> -> memref<100000x256xf32, #tpu.memory_space<hbm>>
    tpu.wait_indirect_dma semaphore(%arg17 : memref<!tpu.dma_semaphore, #tpu.memory_space<semaphore_mem>>) src(%dma_wait3A_63 : memref<100000x256xf32, #tpu.memory_space<hbm>>) dst(%arg13 : memref<128x256xf32, #tpu.memory_space<vmem>>)
    %add3A_64 = arith.constant 0 : i32
    %add3A_65 = arith.addi %mul3A_2, %add3A_64 : i32
    "tpu.region"() ({
      %run_scoped3A = tpu.sem_alloc : memref<!tpu.dma_semaphore, #tpu.memory_space<semaphore_mem>>
      %dma_start3A_121 = arith.constant 0 : i32
      %dma_start3A_122 = tpu.memref_slice %arg8[%add3A_65, %dma_start3A_121] : memref<8192x256xf32, #tpu.memory_space<hbm>> -> memref<128x256xf32, #tpu.memory_space<hbm>>
      %dma_start3A_123 = arith.constant 0 : i32
      %dma_start3A_124 = tpu.memref_slice %arg8[%add3A_65, %dma_start3A_123] : memref<8192x256xf32, #tpu.memory_space<hbm>> -> memref<128x256xf32, #tpu.memory_space<hbm>>
      tpu.enqueue_dma source(%arg13 : memref<128x256xf32, #tpu.memory_space<vmem>>) target(%dma_start3A_124 : memref<128x256xf32, #tpu.memory_space<hbm>>) target_semaphore(%run_scoped3A : memref<!tpu.dma_semaphore, #tpu.memory_space<semaphore_mem>>)
      %dma_wait3A_125 = arith.constant 0 : i32
      %dma_wait3A_126 = tpu.memref_slice %arg8[%add3A_65, %dma_wait3A_125] : memref<8192x256xf32, #tpu.memory_space<hbm>> -> memref<128x256xf32, #tpu.memory_space<hbm>>
      %dma_wait3A_127 = arith.constant 0 : i32
      %dma_wait3A_128 = tpu.memref_slice %arg8[%add3A_65, %dma_wait3A_127] : memref<8192x256xf32, #tpu.memory_space<hbm>> -> memref<128x256xf32, #tpu.memory_space<hbm>>
      tpu.wait_dma2 semaphore(%run_scoped3A : memref<!tpu.dma_semaphore, #tpu.memory_space<semaphore_mem>>) src(%arg13 : memref<128x256xf32, #tpu.memory_space<vmem>>) dst(%dma_wait3A_128 : memref<128x256xf32, #tpu.memory_space<hbm>>)
      tpu.yield
    }) : () -> ()
    %dma_start3A_66 = arith.constant 0 : i32
    %dma_start3A_67 = tpu.memref_slice %arg11[%dma_start3A_66] : memref<256xi32, #tpu.memory_space<vmem>> -> memref<128xi32, #tpu.memory_space<vmem>>
    %dma_start3A_68 = arith.constant 0 : i32
    %dma_start3A_69 = arith.constant 0 : i32
    %dma_start3A_70 = tpu.memref_slice %arg3[%dma_start3A_68, %dma_start3A_69] : memref<100000x128xf32, #tpu.memory_space<hbm>> -> memref<100000x128xf32, #tpu.memory_space<hbm>>
    tpu.enqueue_indirect_dma source(%dma_start3A_70 : memref<100000x128xf32, #tpu.memory_space<hbm>>) target(%arg15 : memref<128x128xf32, #tpu.memory_space<vmem>>) offsets(%dma_start3A_67 : memref<128xi32, #tpu.memory_space<vmem>>) semaphore(%arg19 : memref<!tpu.dma_semaphore, #tpu.memory_space<semaphore_mem>>)
    %dma_wait3A_71 = arith.constant 128 : i32
    %dma_wait3A_72 = tpu.memref_slice %arg12[%dma_wait3A_71] : memref<256xi32, #tpu.memory_space<vmem>> -> memref<128xi32, #tpu.memory_space<vmem>>
    %dma_wait3A_73 = arith.constant 0 : i32
    %dma_wait3A_74 = arith.constant 0 : i32
    %dma_wait3A_75 = tpu.memref_slice %arg6[%dma_wait3A_73, %dma_wait3A_74] : memref<100000x256xf32, #tpu.memory_space<hbm>> -> memref<100000x256xf32, #tpu.memory_space<hbm>>
    tpu.wait_indirect_dma semaphore(%arg18 : memref<!tpu.dma_semaphore, #tpu.memory_space<semaphore_mem>>) src(%dma_wait3A_75 : memref<100000x256xf32, #tpu.memory_space<hbm>>) dst(%arg14 : memref<128x256xf32, #tpu.memory_space<vmem>>)
    %add3A_76 = arith.constant 128 : i32
    %add3A_77 = arith.addi %mul3A_2, %add3A_76 : i32
    "tpu.region"() ({
      %run_scoped3A = tpu.sem_alloc : memref<!tpu.dma_semaphore, #tpu.memory_space<semaphore_mem>>
      %dma_start3A_121 = arith.constant 0 : i32
      %dma_start3A_122 = tpu.memref_slice %arg8[%add3A_77, %dma_start3A_121] : memref<8192x256xf32, #tpu.memory_space<hbm>> -> memref<128x256xf32, #tpu.memory_space<hbm>>
      %dma_start3A_123 = arith.constant 0 : i32
      %dma_start3A_124 = tpu.memref_slice %arg8[%add3A_77, %dma_start3A_123] : memref<8192x256xf32, #tpu.memory_space<hbm>> -> memref<128x256xf32, #tpu.memory_space<hbm>>
      tpu.enqueue_dma source(%arg14 : memref<128x256xf32, #tpu.memory_space<vmem>>) target(%dma_start3A_124 : memref<128x256xf32, #tpu.memory_space<hbm>>) target_semaphore(%run_scoped3A : memref<!tpu.dma_semaphore, #tpu.memory_space<semaphore_mem>>)
      %dma_wait3A_125 = arith.constant 0 : i32
      %dma_wait3A_126 = tpu.memref_slice %arg8[%add3A_77, %dma_wait3A_125] : memref<8192x256xf32, #tpu.memory_space<hbm>> -> memref<128x256xf32, #tpu.memory_space<hbm>>
      %dma_wait3A_127 = arith.constant 0 : i32
      %dma_wait3A_128 = tpu.memref_slice %arg8[%add3A_77, %dma_wait3A_127] : memref<8192x256xf32, #tpu.memory_space<hbm>> -> memref<128x256xf32, #tpu.memory_space<hbm>>
      tpu.wait_dma2 semaphore(%run_scoped3A : memref<!tpu.dma_semaphore, #tpu.memory_space<semaphore_mem>>) src(%arg14 : memref<128x256xf32, #tpu.memory_space<vmem>>) dst(%dma_wait3A_128 : memref<128x256xf32, #tpu.memory_space<hbm>>)
      tpu.yield
    }) : () -> ()
    %dma_start3A_78 = arith.constant 128 : i32
    %dma_start3A_79 = tpu.memref_slice %arg11[%dma_start3A_78] : memref<256xi32, #tpu.memory_space<vmem>> -> memref<128xi32, #tpu.memory_space<vmem>>
    %dma_start3A_80 = arith.constant 0 : i32
    %dma_start3A_81 = arith.constant 0 : i32
    %dma_start3A_82 = tpu.memref_slice %arg3[%dma_start3A_80, %dma_start3A_81] : memref<100000x128xf32, #tpu.memory_space<hbm>> -> memref<100000x128xf32, #tpu.memory_space<hbm>>
    tpu.enqueue_indirect_dma source(%dma_start3A_82 : memref<100000x128xf32, #tpu.memory_space<hbm>>) target(%arg16 : memref<128x128xf32, #tpu.memory_space<vmem>>) offsets(%dma_start3A_79 : memref<128xi32, #tpu.memory_space<vmem>>) semaphore(%arg20 : memref<!tpu.dma_semaphore, #tpu.memory_space<semaphore_mem>>)
    %dma_wait3A_83 = arith.constant 0 : i32
    %dma_wait3A_84 = tpu.memref_slice %arg11[%dma_wait3A_83] : memref<256xi32, #tpu.memory_space<vmem>> -> memref<128xi32, #tpu.memory_space<vmem>>
    %dma_wait3A_85 = arith.constant 0 : i32
    %dma_wait3A_86 = arith.constant 0 : i32
    %dma_wait3A_87 = tpu.memref_slice %arg3[%dma_wait3A_85, %dma_wait3A_86] : memref<100000x128xf32, #tpu.memory_space<hbm>> -> memref<100000x128xf32, #tpu.memory_space<hbm>>
    tpu.wait_indirect_dma semaphore(%arg19 : memref<!tpu.dma_semaphore, #tpu.memory_space<semaphore_mem>>) src(%dma_wait3A_87 : memref<100000x128xf32, #tpu.memory_space<hbm>>) dst(%arg15 : memref<128x128xf32, #tpu.memory_space<vmem>>)
    %add3A_88 = arith.constant 0 : i32
    %add3A_89 = arith.addi %mul3A_2, %add3A_88 : i32
    "tpu.region"() ({
      %run_scoped3A = tpu.sem_alloc : memref<!tpu.dma_semaphore, #tpu.memory_space<semaphore_mem>>
      %dma_start3A_121 = arith.constant 0 : i32
      %dma_start3A_122 = tpu.memref_slice %arg9[%add3A_89, %dma_start3A_121] : memref<8192x128xf32, #tpu.memory_space<hbm>> -> memref<128x128xf32, #tpu.memory_space<hbm>>
      %dma_start3A_123 = arith.constant 0 : i32
      %dma_start3A_124 = tpu.memref_slice %arg9[%add3A_89, %dma_start3A_123] : memref<8192x128xf32, #tpu.memory_space<hbm>> -> memref<128x128xf32, #tpu.memory_space<hbm>>
      tpu.enqueue_dma source(%arg15 : memref<128x128xf32, #tpu.memory_space<vmem>>) target(%dma_start3A_124 : memref<128x128xf32, #tpu.memory_space<hbm>>) target_semaphore(%run_scoped3A : memref<!tpu.dma_semaphore, #tpu.memory_space<semaphore_mem>>)
      %dma_wait3A_125 = arith.constant 0 : i32
      %dma_wait3A_126 = tpu.memref_slice %arg9[%add3A_89, %dma_wait3A_125] : memref<8192x128xf32, #tpu.memory_space<hbm>> -> memref<128x128xf32, #tpu.memory_space<hbm>>
      %dma_wait3A_127 = arith.constant 0 : i32
      %dma_wait3A_128 = tpu.memref_slice %arg9[%add3A_89, %dma_wait3A_127] : memref<8192x128xf32, #tpu.memory_space<hbm>> -> memref<128x128xf32, #tpu.memory_space<hbm>>
      tpu.wait_dma2 semaphore(%run_scoped3A : memref<!tpu.dma_semaphore, #tpu.memory_space<semaphore_mem>>) src(%arg15 : memref<128x128xf32, #tpu.memory_space<vmem>>) dst(%dma_wait3A_128 : memref<128x128xf32, #tpu.memory_space<hbm>>)
      tpu.yield
    }) : () -> ()
    %dma_start3A_90 = arith.constant 0 : i32
    %dma_start3A_91 = tpu.memref_slice %arg12[%dma_start3A_90] : memref<256xi32, #tpu.memory_space<vmem>> -> memref<128xi32, #tpu.memory_space<vmem>>
    %dma_start3A_92 = arith.constant 0 : i32
    %dma_start3A_93 = arith.constant 0 : i32
    %dma_start3A_94 = tpu.memref_slice %arg4[%dma_start3A_92, %dma_start3A_93] : memref<100000x128xf32, #tpu.memory_space<hbm>> -> memref<100000x128xf32, #tpu.memory_space<hbm>>
    tpu.enqueue_indirect_dma source(%dma_start3A_94 : memref<100000x128xf32, #tpu.memory_space<hbm>>) target(%arg15 : memref<128x128xf32, #tpu.memory_space<vmem>>) offsets(%dma_start3A_91 : memref<128xi32, #tpu.memory_space<vmem>>) semaphore(%arg19 : memref<!tpu.dma_semaphore, #tpu.memory_space<semaphore_mem>>)
    %dma_wait3A_95 = arith.constant 128 : i32
    %dma_wait3A_96 = tpu.memref_slice %arg11[%dma_wait3A_95] : memref<256xi32, #tpu.memory_space<vmem>> -> memref<128xi32, #tpu.memory_space<vmem>>
    %dma_wait3A_97 = arith.constant 0 : i32
    %dma_wait3A_98 = arith.constant 0 : i32
    %dma_wait3A_99 = tpu.memref_slice %arg3[%dma_wait3A_97, %dma_wait3A_98] : memref<100000x128xf32, #tpu.memory_space<hbm>> -> memref<100000x128xf32, #tpu.memory_space<hbm>>
    tpu.wait_indirect_dma semaphore(%arg20 : memref<!tpu.dma_semaphore, #tpu.memory_space<semaphore_mem>>) src(%dma_wait3A_99 : memref<100000x128xf32, #tpu.memory_space<hbm>>) dst(%arg16 : memref<128x128xf32, #tpu.memory_space<vmem>>)
    %add3A_100 = arith.constant 128 : i32
    %add3A_101 = arith.addi %mul3A_2, %add3A_100 : i32
    "tpu.region"() ({
      %run_scoped3A = tpu.sem_alloc : memref<!tpu.dma_semaphore, #tpu.memory_space<semaphore_mem>>
      %dma_start3A_121 = arith.constant 0 : i32
      %dma_start3A_122 = tpu.memref_slice %arg9[%add3A_101, %dma_start3A_121] : memref<8192x128xf32, #tpu.memory_space<hbm>> -> memref<128x128xf32, #tpu.memory_space<hbm>>
      %dma_start3A_123 = arith.constant 0 : i32
      %dma_start3A_124 = tpu.memref_slice %arg9[%add3A_101, %dma_start3A_123] : memref<8192x128xf32, #tpu.memory_space<hbm>> -> memref<128x128xf32, #tpu.memory_space<hbm>>
      tpu.enqueue_dma source(%arg16 : memref<128x128xf32, #tpu.memory_space<vmem>>) target(%dma_start3A_124 : memref<128x128xf32, #tpu.memory_space<hbm>>) target_semaphore(%run_scoped3A : memref<!tpu.dma_semaphore, #tpu.memory_space<semaphore_mem>>)
      %dma_wait3A_125 = arith.constant 0 : i32
      %dma_wait3A_126 = tpu.memref_slice %arg9[%add3A_101, %dma_wait3A_125] : memref<8192x128xf32, #tpu.memory_space<hbm>> -> memref<128x128xf32, #tpu.memory_space<hbm>>
      %dma_wait3A_127 = arith.constant 0 : i32
      %dma_wait3A_128 = tpu.memref_slice %arg9[%add3A_101, %dma_wait3A_127] : memref<8192x128xf32, #tpu.memory_space<hbm>> -> memref<128x128xf32, #tpu.memory_space<hbm>>
      tpu.wait_dma2 semaphore(%run_scoped3A : memref<!tpu.dma_semaphore, #tpu.memory_space<semaphore_mem>>) src(%arg16 : memref<128x128xf32, #tpu.memory_space<vmem>>) dst(%dma_wait3A_128 : memref<128x128xf32, #tpu.memory_space<hbm>>)
      tpu.yield
    }) : () -> ()
    %dma_start3A_102 = arith.constant 128 : i32
    %dma_start3A_103 = tpu.memref_slice %arg12[%dma_start3A_102] : memref<256xi32, #tpu.memory_space<vmem>> -> memref<128xi32, #tpu.memory_space<vmem>>
    %dma_start3A_104 = arith.constant 0 : i32
    %dma_start3A_105 = arith.constant 0 : i32
    %dma_start3A_106 = tpu.memref_slice %arg4[%dma_start3A_104, %dma_start3A_105] : memref<100000x128xf32, #tpu.memory_space<hbm>> -> memref<100000x128xf32, #tpu.memory_space<hbm>>
    tpu.enqueue_indirect_dma source(%dma_start3A_106 : memref<100000x128xf32, #tpu.memory_space<hbm>>) target(%arg16 : memref<128x128xf32, #tpu.memory_space<vmem>>) offsets(%dma_start3A_103 : memref<128xi32, #tpu.memory_space<vmem>>) semaphore(%arg20 : memref<!tpu.dma_semaphore, #tpu.memory_space<semaphore_mem>>)
    %dma_wait3A_107 = arith.constant 0 : i32
    %dma_wait3A_108 = tpu.memref_slice %arg12[%dma_wait3A_107] : memref<256xi32, #tpu.memory_space<vmem>> -> memref<128xi32, #tpu.memory_space<vmem>>
    %dma_wait3A_109 = arith.constant 0 : i32
    %dma_wait3A_110 = arith.constant 0 : i32
    %dma_wait3A_111 = tpu.memref_slice %arg4[%dma_wait3A_109, %dma_wait3A_110] : memref<100000x128xf32, #tpu.memory_space<hbm>> -> memref<100000x128xf32, #tpu.memory_space<hbm>>
    tpu.wait_indirect_dma semaphore(%arg19 : memref<!tpu.dma_semaphore, #tpu.memory_space<semaphore_mem>>) src(%dma_wait3A_111 : memref<100000x128xf32, #tpu.memory_space<hbm>>) dst(%arg15 : memref<128x128xf32, #tpu.memory_space<vmem>>)
    %add3A_112 = arith.constant 0 : i32
    %add3A_113 = arith.addi %mul3A_2, %add3A_112 : i32
    "tpu.region"() ({
      %run_scoped3A = tpu.sem_alloc : memref<!tpu.dma_semaphore, #tpu.memory_space<semaphore_mem>>
      %dma_start3A_121 = arith.constant 0 : i32
      %dma_start3A_122 = tpu.memref_slice %arg10[%add3A_113, %dma_start3A_121] : memref<8192x128xf32, #tpu.memory_space<hbm>> -> memref<128x128xf32, #tpu.memory_space<hbm>>
      %dma_start3A_123 = arith.constant 0 : i32
      %dma_start3A_124 = tpu.memref_slice %arg10[%add3A_113, %dma_start3A_123] : memref<8192x128xf32, #tpu.memory_space<hbm>> -> memref<128x128xf32, #tpu.memory_space<hbm>>
      tpu.enqueue_dma source(%arg15 : memref<128x128xf32, #tpu.memory_space<vmem>>) target(%dma_start3A_124 : memref<128x128xf32, #tpu.memory_space<hbm>>) target_semaphore(%run_scoped3A : memref<!tpu.dma_semaphore, #tpu.memory_space<semaphore_mem>>)
      %dma_wait3A_125 = arith.constant 0 : i32
      %dma_wait3A_126 = tpu.memref_slice %arg10[%add3A_113, %dma_wait3A_125] : memref<8192x128xf32, #tpu.memory_space<hbm>> -> memref<128x128xf32, #tpu.memory_space<hbm>>
      %dma_wait3A_127 = arith.constant 0 : i32
      %dma_wait3A_128 = tpu.memref_slice %arg10[%add3A_113, %dma_wait3A_127] : memref<8192x128xf32, #tpu.memory_space<hbm>> -> memref<128x128xf32, #tpu.memory_space<hbm>>
      tpu.wait_dma2 semaphore(%run_scoped3A : memref<!tpu.dma_semaphore, #tpu.memory_space<semaphore_mem>>) src(%arg15 : memref<128x128xf32, #tpu.memory_space<vmem>>) dst(%dma_wait3A_128 : memref<128x128xf32, #tpu.memory_space<hbm>>)
      tpu.yield
    }) : () -> ()
    %dma_wait3A_114 = arith.constant 128 : i32
    %dma_wait3A_115 = tpu.memref_slice %arg12[%dma_wait3A_114] : memref<256xi32, #tpu.memory_space<vmem>> -> memref<128xi32, #tpu.memory_space<vmem>>
    %dma_wait3A_116 = arith.constant 0 : i32
    %dma_wait3A_117 = arith.constant 0 : i32
    %dma_wait3A_118 = tpu.memref_slice %arg4[%dma_wait3A_116, %dma_wait3A_117] : memref<100000x128xf32, #tpu.memory_space<hbm>> -> memref<100000x128xf32, #tpu.memory_space<hbm>>
    tpu.wait_indirect_dma semaphore(%arg20 : memref<!tpu.dma_semaphore, #tpu.memory_space<semaphore_mem>>) src(%dma_wait3A_118 : memref<100000x128xf32, #tpu.memory_space<hbm>>) dst(%arg16 : memref<128x128xf32, #tpu.memory_space<vmem>>)
    %add3A_119 = arith.constant 128 : i32
    %add3A_120 = arith.addi %mul3A_2, %add3A_119 : i32
    "tpu.region"() ({
      %run_scoped3A = tpu.sem_alloc : memref<!tpu.dma_semaphore, #tpu.memory_space<semaphore_mem>>
      %dma_start3A_121 = arith.constant 0 : i32
      %dma_start3A_122 = tpu.memref_slice %arg10[%add3A_120, %dma_start3A_121] : memref<8192x128xf32, #tpu.memory_space<hbm>> -> memref<128x128xf32, #tpu.memory_space<hbm>>
      %dma_start3A_123 = arith.constant 0 : i32
      %dma_start3A_124 = tpu.memref_slice %arg10[%add3A_120, %dma_start3A_123] : memref<8192x128xf32, #tpu.memory_space<hbm>> -> memref<128x128xf32, #tpu.memory_space<hbm>>
      tpu.enqueue_dma source(%arg16 : memref<128x128xf32, #tpu.memory_space<vmem>>) target(%dma_start3A_124 : memref<128x128xf32, #tpu.memory_space<hbm>>) target_semaphore(%run_scoped3A : memref<!tpu.dma_semaphore, #tpu.memory_space<semaphore_mem>>)
      %dma_wait3A_125 = arith.constant 0 : i32
      %dma_wait3A_126 = tpu.memref_slice %arg10[%add3A_120, %dma_wait3A_125] : memref<8192x128xf32, #tpu.memory_space<hbm>> -> memref<128x128xf32, #tpu.memory_space<hbm>>
      %dma_wait3A_127 = arith.constant 0 : i32
      %dma_wait3A_128 = tpu.memref_slice %arg10[%add3A_120, %dma_wait3A_127] : memref<8192x128xf32, #tpu.memory_space<hbm>> -> memref<128x128xf32, #tpu.memory_space<hbm>>
      tpu.wait_dma2 semaphore(%run_scoped3A : memref<!tpu.dma_semaphore, #tpu.memory_space<semaphore_mem>>) src(%arg16 : memref<128x128xf32, #tpu.memory_space<vmem>>) dst(%dma_wait3A_128 : memref<128x128xf32, #tpu.memory_space<hbm>>)
      tpu.yield
    }) : () -> ()
    return
  }
}

module attributes {stable_mosaic.version = 14 : i64} {
  func.func @_dense_body(%arg0: i32, %arg1: memref<2048x256xf32, #tpu.memory_space<vmem>>, %arg2: memref<2048x256xf32, #tpu.memory_space<vmem>>, %arg3: memref<2048x128xf32, #tpu.memory_space<vmem>>, %arg4: memref<2048x128xf32, #tpu.memory_space<vmem>>, %arg5: memref<256x256xf32, #tpu.memory_space<vmem>>, %arg6: memref<256x256xf32, #tpu.memory_space<vmem>>, %arg7: memref<1x256xf32, #tpu.memory_space<vmem>>, %arg8: memref<256x128xf32, #tpu.memory_space<vmem>>, %arg9: memref<1x128xf32, #tpu.memory_space<vmem>>, %arg10: memref<1x256xf32, #tpu.memory_space<vmem>>, %arg11: memref<1xf32, #tpu.memory_space<smem>>, %arg12: memref<16384x256xf32, #tpu.memory_space<any>>, %arg13: memref<16384xf32, #tpu.memory_space<any>>, %arg14: memref<2048x256xf32, #tpu.memory_space<vmem>>, %arg15: memref<2048xf32, #tpu.memory_space<vmem>>) attributes {dimension_semantics = [#tpu.dimension_semantics<arbitrary>], iteration_bounds = array<i64: 4>, scalar_prefetch = 0 : i64, scratch_operands = 0 : i64, tpu.core_type = #tpu.core_type<tc>, window_params = [{transform_indices = @transform_0, window_bounds = array<i64: 2048, 256>}, {transform_indices = @transform_1, window_bounds = array<i64: 2048, 256>}, {transform_indices = @transform_2, window_bounds = array<i64: 2048, 128>}, {transform_indices = @transform_3, window_bounds = array<i64: 2048, 128>}, {pipeline_mode = #tpu.pipeline_mode<synchronous>, transform_indices = @transform_4, window_bounds = array<i64: 256, 256>}, {pipeline_mode = #tpu.pipeline_mode<synchronous>, transform_indices = @transform_5, window_bounds = array<i64: 256, 256>}, {pipeline_mode = #tpu.pipeline_mode<synchronous>, transform_indices = @transform_6, window_bounds = array<i64: 1, 256>}, {pipeline_mode = #tpu.pipeline_mode<synchronous>, transform_indices = @transform_7, window_bounds = array<i64: 256, 128>}, {pipeline_mode = #tpu.pipeline_mode<synchronous>, transform_indices = @transform_8, window_bounds = array<i64: 1, 128>}, {pipeline_mode = #tpu.pipeline_mode<synchronous>, transform_indices = @transform_9, window_bounds = array<i64: 1, 256>}, {transform_indices = @transform_10, window_bounds = array<i64: 1>}, {}, {}, {transform_indices = @transform_13, window_bounds = array<i64: 2048, 256>}, {transform_indices = @transform_14, window_bounds = array<i64: 2048>}]} {
    %get3A = arith.constant 0 : index
    %get3A_0 = arith.constant 0 : index
    %get3A_1 = vector.load %arg1[%get3A, %get3A_0] : memref<2048x256xf32, #tpu.memory_space<vmem>>, vector<2048x256xf32>
    %convert_element_type3A = arith.truncf %get3A_1 : vector<2048x256xf32> to vector<2048x256xbf16>
    %get3A_2 = arith.constant 0 : index
    %get3A_3 = arith.constant 0 : index
    %get3A_4 = vector.load %arg5[%get3A_2, %get3A_3] : memref<256x256xf32, #tpu.memory_space<vmem>>, vector<256x256xf32>
    %convert_element_type3A_5 = arith.truncf %get3A_4 : vector<256x256xf32> to vector<256x256xbf16>
    %dot_general3A = arith.constant dense<0.000000e+00> : vector<2048x256xf32>
    %dot_general3A_6 = tpu.matmul %convert_element_type3A, %convert_element_type3A_5, %dot_general3A {dimension_numbers = #tpu.dot_dimension_numbers<[1], [0], [0], [1], [0, 0, 1, 1], [], []>, transpose_lhs_hint = false} : vector<2048x256xbf16>, vector<256x256xbf16>, vector<2048x256xf32> -> vector<2048x256xf32>
    %get3A_7 = arith.constant 0 : index
    %get3A_8 = arith.constant 0 : index
    %get3A_9 = vector.load %arg2[%get3A_7, %get3A_8] : memref<2048x256xf32, #tpu.memory_space<vmem>>, vector<2048x256xf32>
    %convert_element_type3A_10 = arith.truncf %get3A_9 : vector<2048x256xf32> to vector<2048x256xbf16>
    %get3A_11 = arith.constant 0 : index
    %get3A_12 = arith.constant 0 : index
    %get3A_13 = vector.load %arg6[%get3A_11, %get3A_12] : memref<256x256xf32, #tpu.memory_space<vmem>>, vector<256x256xf32>
    %convert_element_type3A_14 = arith.truncf %get3A_13 : vector<256x256xf32> to vector<256x256xbf16>
    %dot_general3A_15 = arith.constant dense<0.000000e+00> : vector<2048x256xf32>
    %dot_general3A_16 = tpu.matmul %convert_element_type3A_10, %convert_element_type3A_14, %dot_general3A_15 {dimension_numbers = #tpu.dot_dimension_numbers<[1], [0], [0], [1], [0, 0, 1, 1], [], []>, transpose_lhs_hint = false} : vector<2048x256xbf16>, vector<256x256xbf16>, vector<2048x256xf32> -> vector<2048x256xf32>
    %add3A = arith.addf %dot_general3A_6, %dot_general3A_16 : vector<2048x256xf32>
    %get3A_17 = arith.constant 0 : index
    %get3A_18 = arith.constant 0 : index
    %get3A_19 = vector.load %arg7[%get3A_17, %get3A_18] : memref<1x256xf32, #tpu.memory_space<vmem>>, vector<1x256xf32>
    %add3A_20 = vector.broadcast %get3A_19 : vector<1x256xf32> to vector<2048x256xf32>
    %add3A_21 = arith.addf %add3A, %add3A_20 : vector<2048x256xf32>
    %max3A = arith.constant 0.000000e+00 : f32
    %max3A_22 = vector.broadcast %max3A : f32 to vector<2048x256xf32>
    %max3A_23 = arith.maximumf %add3A_21, %max3A_22 : vector<2048x256xf32>
    %convert_element_type3A_24 = arith.truncf %max3A_23 : vector<2048x256xf32> to vector<2048x256xbf16>
    %get3A_25 = arith.constant 0 : index
    %get3A_26 = arith.constant 0 : index
    %get3A_27 = vector.load %arg8[%get3A_25, %get3A_26] : memref<256x128xf32, #tpu.memory_space<vmem>>, vector<256x128xf32>
    %convert_element_type3A_28 = arith.truncf %get3A_27 : vector<256x128xf32> to vector<256x128xbf16>
    %dot_general3A_29 = arith.constant dense<0.000000e+00> : vector<2048x128xf32>
    %dot_general3A_30 = tpu.matmul %convert_element_type3A_24, %convert_element_type3A_28, %dot_general3A_29 {dimension_numbers = #tpu.dot_dimension_numbers<[1], [0], [0], [1], [0, 0, 1, 1], [], []>, transpose_lhs_hint = false} : vector<2048x256xbf16>, vector<256x128xbf16>, vector<2048x128xf32> -> vector<2048x128xf32>
    %get3A_31 = arith.constant 0 : index
    %get3A_32 = arith.constant 0 : index
    %get3A_33 = vector.load %arg9[%get3A_31, %get3A_32] : memref<1x128xf32, #tpu.memory_space<vmem>>, vector<1x128xf32>
    %add3A_34 = vector.broadcast %get3A_33 : vector<1x128xf32> to vector<2048x128xf32>
    %add3A_35 = arith.addf %dot_general3A_30, %add3A_34 : vector<2048x128xf32>
    %max3A_36 = arith.constant 0.000000e+00 : f32
    %max3A_37 = vector.broadcast %max3A_36 : f32 to vector<2048x128xf32>
    %max3A_38 = arith.maximumf %add3A_35, %max3A_37 : vector<2048x128xf32>
    %get3A_39 = arith.constant 0 : index
    %get3A_40 = arith.constant 0 : index
    %get3A_41 = vector.load %arg3[%get3A_39, %get3A_40] : memref<2048x128xf32, #tpu.memory_space<vmem>>, vector<2048x128xf32>
    %get3A_42 = arith.constant 0 : index
    %get3A_43 = arith.constant 0 : index
    %get3A_44 = vector.load %arg4[%get3A_42, %get3A_43] : memref<2048x128xf32, #tpu.memory_space<vmem>>, vector<2048x128xf32>
    %mul3A = arith.mulf %get3A_41, %get3A_44 : vector<2048x128xf32>
    %concatenate3A = tpu.concatenate %mul3A, %max3A_38 in 1 : vector<2048x128xf32>, vector<2048x128xf32> -> vector<2048x256xf32>
    %swap3A = arith.constant 0 : index
    %swap3A_45 = arith.constant 0 : index
    %swap3A_46 = vector.load %arg14[%swap3A, %swap3A_45] : memref<2048x256xf32, #tpu.memory_space<vmem>>, vector<2048x256xf32>
    tpu.vector_store %arg14[%swap3A, %swap3A_45], %concatenate3A {strides = array<i32>} : memref<2048x256xf32, #tpu.memory_space<vmem>>, vector<2048x256xf32>,
    %get3A_47 = arith.constant 0 : index
    %get3A_48 = arith.constant 0 : index
    %get3A_49 = vector.load %arg10[%get3A_47, %get3A_48] : memref<1x256xf32, #tpu.memory_space<vmem>>, vector<1x256xf32>
    %mul3A_50 = vector.broadcast %get3A_49 : vector<1x256xf32> to vector<2048x256xf32>
    %mul3A_51 = arith.mulf %concatenate3A, %mul3A_50 : vector<2048x256xf32>
    %reduce_sum3A = arith.constant dense<0.000000e+00> : vector<2048xf32>
    %reduce_sum3A_52 = vector.multi_reduction <add>, %mul3A_51, %reduce_sum3A [1] : vector<2048x256xf32> to vector<2048xf32>
    %get3A_53 = arith.constant 0 : index
    %get3A_54 = memref.load %arg11[%get3A_53] : memref<1xf32, #tpu.memory_space<smem>>
    %add3A_55 = vector.broadcast %get3A_54 : f32 to vector<2048xf32>
    %add3A_56 = arith.addf %reduce_sum3A_52, %add3A_55 : vector<2048xf32>
    %swap3A_57 = arith.constant 0 : index
    %swap3A_58 = vector.load %arg15[%swap3A_57] : memref<2048xf32, #tpu.memory_space<vmem>>, vector<2048xf32>
    tpu.vector_store %arg15[%swap3A_57], %add3A_56 {strides = array<i32>} : memref<2048xf32, #tpu.memory_space<vmem>>, vector<2048xf32>,
    return
  }
  func.func @transform_0(%arg0: i32) -> (i32, i32) {
    %c0_i32 = arith.constant 0 : i32
    %c0_i32_0 = arith.constant 0 : i32
    return %arg0, %c0_i32 : i32, i32
  }
  func.func @transform_1(%arg0: i32) -> (i32, i32) {
    %c0_i32 = arith.constant 0 : i32
    %c0_i32_0 = arith.constant 0 : i32
    return %arg0, %c0_i32 : i32, i32
  }
  func.func @transform_2(%arg0: i32) -> (i32, i32) {
    %c0_i32 = arith.constant 0 : i32
    %c0_i32_0 = arith.constant 0 : i32
    return %arg0, %c0_i32 : i32, i32
  }
  func.func @transform_3(%arg0: i32) -> (i32, i32) {
    %c0_i32 = arith.constant 0 : i32
    %c0_i32_0 = arith.constant 0 : i32
    return %arg0, %c0_i32 : i32, i32
  }
  func.func @transform_4(%arg0: i32) -> (i32, i32) {
    %c0_i32 = arith.constant 0 : i32
    %c0_i32_0 = arith.constant 0 : i32
    %c0_i32_1 = arith.constant 0 : i32
    return %c0_i32, %c0_i32_0 : i32, i32
  }
  func.func @transform_5(%arg0: i32) -> (i32, i32) {
    %c0_i32 = arith.constant 0 : i32
    %c0_i32_0 = arith.constant 0 : i32
    %c0_i32_1 = arith.constant 0 : i32
    return %c0_i32, %c0_i32_0 : i32, i32
  }
  func.func @transform_6(%arg0: i32) -> (i32, i32) {
    %c0_i32 = arith.constant 0 : i32
    %c0_i32_0 = arith.constant 0 : i32
    %c0_i32_1 = arith.constant 0 : i32
    return %c0_i32, %c0_i32_0 : i32, i32
  }
  func.func @transform_7(%arg0: i32) -> (i32, i32) {
    %c0_i32 = arith.constant 0 : i32
    %c0_i32_0 = arith.constant 0 : i32
    %c0_i32_1 = arith.constant 0 : i32
    return %c0_i32, %c0_i32_0 : i32, i32
  }
  func.func @transform_8(%arg0: i32) -> (i32, i32) {
    %c0_i32 = arith.constant 0 : i32
    %c0_i32_0 = arith.constant 0 : i32
    %c0_i32_1 = arith.constant 0 : i32
    return %c0_i32, %c0_i32_0 : i32, i32
  }
  func.func @transform_9(%arg0: i32) -> (i32, i32) {
    %c0_i32 = arith.constant 0 : i32
    %c0_i32_0 = arith.constant 0 : i32
    %c0_i32_1 = arith.constant 0 : i32
    return %c0_i32, %c0_i32_0 : i32, i32
  }
  func.func @transform_10(%arg0: i32) -> i32 {
    %c0_i32 = arith.constant 0 : i32
    %c0_i32_0 = arith.constant 0 : i32
    return %c0_i32 : i32
  }
  func.func @transform_13(%arg0: i32) -> (i32, i32) {
    %add3A = arith.constant 4 : i32
    %add3A_0 = arith.addi %arg0, %add3A : i32
    %c0_i32 = arith.constant 0 : i32
    %c0_i32_1 = arith.constant 0 : i32
    return %add3A_0, %c0_i32 : i32, i32
  }
  func.func @transform_14(%arg0: i32) -> i32 {
    %add3A = arith.constant 4 : i32
    %add3A_0 = arith.addi %arg0, %add3A : i32
    %c0_i32 = arith.constant 0 : i32
    return %add3A_0 : i32
  }
}

module attributes {stable_mosaic.version = 14 : i64} {
  func.func @_dense_body(%arg0: i32, %arg1: memref<2048x256xf32, #tpu.memory_space<vmem>>, %arg2: memref<2048x256xf32, #tpu.memory_space<vmem>>, %arg3: memref<2048x128xf32, #tpu.memory_space<vmem>>, %arg4: memref<2048x128xf32, #tpu.memory_space<vmem>>, %arg5: memref<256x256xf32, #tpu.memory_space<vmem>>, %arg6: memref<256x256xf32, #tpu.memory_space<vmem>>, %arg7: memref<1x256xf32, #tpu.memory_space<vmem>>, %arg8: memref<256x128xf32, #tpu.memory_space<vmem>>, %arg9: memref<1x128xf32, #tpu.memory_space<vmem>>, %arg10: memref<1x256xf32, #tpu.memory_space<vmem>>, %arg11: memref<1xf32, #tpu.memory_space<smem>>, %arg12: memref<2048x256xf32, #tpu.memory_space<vmem>>, %arg13: memref<2048xf32, #tpu.memory_space<vmem>>) attributes {dimension_semantics = [#tpu.dimension_semantics<arbitrary>], iteration_bounds = array<i64: 4>, scalar_prefetch = 0 : i64, scratch_operands = 0 : i64, tpu.core_type = #tpu.core_type<tc>, window_params = [{transform_indices = @transform_0, window_bounds = array<i64: 2048, 256>}, {transform_indices = @transform_1, window_bounds = array<i64: 2048, 256>}, {transform_indices = @transform_2, window_bounds = array<i64: 2048, 128>}, {transform_indices = @transform_3, window_bounds = array<i64: 2048, 128>}, {pipeline_mode = #tpu.pipeline_mode<synchronous>, transform_indices = @transform_4, window_bounds = array<i64: 256, 256>}, {pipeline_mode = #tpu.pipeline_mode<synchronous>, transform_indices = @transform_5, window_bounds = array<i64: 256, 256>}, {pipeline_mode = #tpu.pipeline_mode<synchronous>, transform_indices = @transform_6, window_bounds = array<i64: 1, 256>}, {pipeline_mode = #tpu.pipeline_mode<synchronous>, transform_indices = @transform_7, window_bounds = array<i64: 256, 128>}, {pipeline_mode = #tpu.pipeline_mode<synchronous>, transform_indices = @transform_8, window_bounds = array<i64: 1, 128>}, {pipeline_mode = #tpu.pipeline_mode<synchronous>, transform_indices = @transform_9, window_bounds = array<i64: 1, 256>}, {transform_indices = @transform_10, window_bounds = array<i64: 1>}, {transform_indices = @transform_11, window_bounds = array<i64: 2048, 256>}, {transform_indices = @transform_12, window_bounds = array<i64: 2048>}]} {
    %get3A = arith.constant 0 : index
    %get3A_0 = arith.constant 0 : index
    %get3A_1 = vector.load %arg1[%get3A, %get3A_0] : memref<2048x256xf32, #tpu.memory_space<vmem>>, vector<2048x256xf32>
    %convert_element_type3A = arith.truncf %get3A_1 : vector<2048x256xf32> to vector<2048x256xbf16>
    %get3A_2 = arith.constant 0 : index
    %get3A_3 = arith.constant 0 : index
    %get3A_4 = vector.load %arg5[%get3A_2, %get3A_3] : memref<256x256xf32, #tpu.memory_space<vmem>>, vector<256x256xf32>
    %convert_element_type3A_5 = arith.truncf %get3A_4 : vector<256x256xf32> to vector<256x256xbf16>
    %dot_general3A = arith.constant dense<0.000000e+00> : vector<2048x256xf32>
    %dot_general3A_6 = tpu.matmul %convert_element_type3A, %convert_element_type3A_5, %dot_general3A {dimension_numbers = #tpu.dot_dimension_numbers<[1], [0], [0], [1], [0, 0, 1, 1], [], []>, transpose_lhs_hint = false} : vector<2048x256xbf16>, vector<256x256xbf16>, vector<2048x256xf32> -> vector<2048x256xf32>
    %get3A_7 = arith.constant 0 : index
    %get3A_8 = arith.constant 0 : index
    %get3A_9 = vector.load %arg2[%get3A_7, %get3A_8] : memref<2048x256xf32, #tpu.memory_space<vmem>>, vector<2048x256xf32>
    %convert_element_type3A_10 = arith.truncf %get3A_9 : vector<2048x256xf32> to vector<2048x256xbf16>
    %get3A_11 = arith.constant 0 : index
    %get3A_12 = arith.constant 0 : index
    %get3A_13 = vector.load %arg6[%get3A_11, %get3A_12] : memref<256x256xf32, #tpu.memory_space<vmem>>, vector<256x256xf32>
    %convert_element_type3A_14 = arith.truncf %get3A_13 : vector<256x256xf32> to vector<256x256xbf16>
    %dot_general3A_15 = arith.constant dense<0.000000e+00> : vector<2048x256xf32>
    %dot_general3A_16 = tpu.matmul %convert_element_type3A_10, %convert_element_type3A_14, %dot_general3A_15 {dimension_numbers = #tpu.dot_dimension_numbers<[1], [0], [0], [1], [0, 0, 1, 1], [], []>, transpose_lhs_hint = false} : vector<2048x256xbf16>, vector<256x256xbf16>, vector<2048x256xf32> -> vector<2048x256xf32>
    %add3A = arith.addf %dot_general3A_6, %dot_general3A_16 : vector<2048x256xf32>
    %get3A_17 = arith.constant 0 : index
    %get3A_18 = arith.constant 0 : index
    %get3A_19 = vector.load %arg7[%get3A_17, %get3A_18] : memref<1x256xf32, #tpu.memory_space<vmem>>, vector<1x256xf32>
    %add3A_20 = vector.broadcast %get3A_19 : vector<1x256xf32> to vector<2048x256xf32>
    %add3A_21 = arith.addf %add3A, %add3A_20 : vector<2048x256xf32>
    %max3A = arith.constant 0.000000e+00 : f32
    %max3A_22 = vector.broadcast %max3A : f32 to vector<2048x256xf32>
    %max3A_23 = arith.maximumf %add3A_21, %max3A_22 : vector<2048x256xf32>
    %convert_element_type3A_24 = arith.truncf %max3A_23 : vector<2048x256xf32> to vector<2048x256xbf16>
    %get3A_25 = arith.constant 0 : index
    %get3A_26 = arith.constant 0 : index
    %get3A_27 = vector.load %arg8[%get3A_25, %get3A_26] : memref<256x128xf32, #tpu.memory_space<vmem>>, vector<256x128xf32>
    %convert_element_type3A_28 = arith.truncf %get3A_27 : vector<256x128xf32> to vector<256x128xbf16>
    %dot_general3A_29 = arith.constant dense<0.000000e+00> : vector<2048x128xf32>
    %dot_general3A_30 = tpu.matmul %convert_element_type3A_24, %convert_element_type3A_28, %dot_general3A_29 {dimension_numbers = #tpu.dot_dimension_numbers<[1], [0], [0], [1], [0, 0, 1, 1], [], []>, transpose_lhs_hint = false} : vector<2048x256xbf16>, vector<256x128xbf16>, vector<2048x128xf32> -> vector<2048x128xf32>
    %get3A_31 = arith.constant 0 : index
    %get3A_32 = arith.constant 0 : index
    %get3A_33 = vector.load %arg9[%get3A_31, %get3A_32] : memref<1x128xf32, #tpu.memory_space<vmem>>, vector<1x128xf32>
    %add3A_34 = vector.broadcast %get3A_33 : vector<1x128xf32> to vector<2048x128xf32>
    %add3A_35 = arith.addf %dot_general3A_30, %add3A_34 : vector<2048x128xf32>
    %max3A_36 = arith.constant 0.000000e+00 : f32
    %max3A_37 = vector.broadcast %max3A_36 : f32 to vector<2048x128xf32>
    %max3A_38 = arith.maximumf %add3A_35, %max3A_37 : vector<2048x128xf32>
    %get3A_39 = arith.constant 0 : index
    %get3A_40 = arith.constant 0 : index
    %get3A_41 = vector.load %arg3[%get3A_39, %get3A_40] : memref<2048x128xf32, #tpu.memory_space<vmem>>, vector<2048x128xf32>
    %get3A_42 = arith.constant 0 : index
    %get3A_43 = arith.constant 0 : index
    %get3A_44 = vector.load %arg4[%get3A_42, %get3A_43] : memref<2048x128xf32, #tpu.memory_space<vmem>>, vector<2048x128xf32>
    %mul3A = arith.mulf %get3A_41, %get3A_44 : vector<2048x128xf32>
    %concatenate3A = tpu.concatenate %mul3A, %max3A_38 in 1 : vector<2048x128xf32>, vector<2048x128xf32> -> vector<2048x256xf32>
    %swap3A = arith.constant 0 : index
    %swap3A_45 = arith.constant 0 : index
    %swap3A_46 = vector.load %arg12[%swap3A, %swap3A_45] : memref<2048x256xf32, #tpu.memory_space<vmem>>, vector<2048x256xf32>
    tpu.vector_store %arg12[%swap3A, %swap3A_45], %concatenate3A {strides = array<i32>} : memref<2048x256xf32, #tpu.memory_space<vmem>>, vector<2048x256xf32>,
    %get3A_47 = arith.constant 0 : index
    %get3A_48 = arith.constant 0 : index
    %get3A_49 = vector.load %arg10[%get3A_47, %get3A_48] : memref<1x256xf32, #tpu.memory_space<vmem>>, vector<1x256xf32>
    %mul3A_50 = vector.broadcast %get3A_49 : vector<1x256xf32> to vector<2048x256xf32>
    %mul3A_51 = arith.mulf %concatenate3A, %mul3A_50 : vector<2048x256xf32>
    %reduce_sum3A = arith.constant dense<0.000000e+00> : vector<2048xf32>
    %reduce_sum3A_52 = vector.multi_reduction <add>, %mul3A_51, %reduce_sum3A [1] : vector<2048x256xf32> to vector<2048xf32>
    %get3A_53 = arith.constant 0 : index
    %get3A_54 = memref.load %arg11[%get3A_53] : memref<1xf32, #tpu.memory_space<smem>>
    %add3A_55 = vector.broadcast %get3A_54 : f32 to vector<2048xf32>
    %add3A_56 = arith.addf %reduce_sum3A_52, %add3A_55 : vector<2048xf32>
    %swap3A_57 = arith.constant 0 : index
    %swap3A_58 = vector.load %arg13[%swap3A_57] : memref<2048xf32, #tpu.memory_space<vmem>>, vector<2048xf32>
    tpu.vector_store %arg13[%swap3A_57], %add3A_56 {strides = array<i32>} : memref<2048xf32, #tpu.memory_space<vmem>>, vector<2048xf32>,
    return
  }
  func.func @transform_0(%arg0: i32) -> (i32, i32) {
    %c0_i32 = arith.constant 0 : i32
    %c0_i32_0 = arith.constant 0 : i32
    return %arg0, %c0_i32 : i32, i32
  }
  func.func @transform_1(%arg0: i32) -> (i32, i32) {
    %c0_i32 = arith.constant 0 : i32
    %c0_i32_0 = arith.constant 0 : i32
    return %arg0, %c0_i32 : i32, i32
  }
  func.func @transform_2(%arg0: i32) -> (i32, i32) {
    %c0_i32 = arith.constant 0 : i32
    %c0_i32_0 = arith.constant 0 : i32
    return %arg0, %c0_i32 : i32, i32
  }
  func.func @transform_3(%arg0: i32) -> (i32, i32) {
    %c0_i32 = arith.constant 0 : i32
    %c0_i32_0 = arith.constant 0 : i32
    return %arg0, %c0_i32 : i32, i32
  }
  func.func @transform_4(%arg0: i32) -> (i32, i32) {
    %c0_i32 = arith.constant 0 : i32
    %c0_i32_0 = arith.constant 0 : i32
    %c0_i32_1 = arith.constant 0 : i32
    return %c0_i32, %c0_i32_0 : i32, i32
  }
  func.func @transform_5(%arg0: i32) -> (i32, i32) {
    %c0_i32 = arith.constant 0 : i32
    %c0_i32_0 = arith.constant 0 : i32
    %c0_i32_1 = arith.constant 0 : i32
    return %c0_i32, %c0_i32_0 : i32, i32
  }
  func.func @transform_6(%arg0: i32) -> (i32, i32) {
    %c0_i32 = arith.constant 0 : i32
    %c0_i32_0 = arith.constant 0 : i32
    %c0_i32_1 = arith.constant 0 : i32
    return %c0_i32, %c0_i32_0 : i32, i32
  }
  func.func @transform_7(%arg0: i32) -> (i32, i32) {
    %c0_i32 = arith.constant 0 : i32
    %c0_i32_0 = arith.constant 0 : i32
    %c0_i32_1 = arith.constant 0 : i32
    return %c0_i32, %c0_i32_0 : i32, i32
  }
  func.func @transform_8(%arg0: i32) -> (i32, i32) {
    %c0_i32 = arith.constant 0 : i32
    %c0_i32_0 = arith.constant 0 : i32
    %c0_i32_1 = arith.constant 0 : i32
    return %c0_i32, %c0_i32_0 : i32, i32
  }
  func.func @transform_9(%arg0: i32) -> (i32, i32) {
    %c0_i32 = arith.constant 0 : i32
    %c0_i32_0 = arith.constant 0 : i32
    %c0_i32_1 = arith.constant 0 : i32
    return %c0_i32, %c0_i32_0 : i32, i32
  }
  func.func @transform_10(%arg0: i32) -> i32 {
    %c0_i32 = arith.constant 0 : i32
    %c0_i32_0 = arith.constant 0 : i32
    return %c0_i32 : i32
  }
  func.func @transform_11(%arg0: i32) -> (i32, i32) {
    %add3A = arith.constant 0 : i32
    %add3A_0 = arith.addi %arg0, %add3A : i32
    %c0_i32 = arith.constant 0 : i32
    %c0_i32_1 = arith.constant 0 : i32
    return %add3A_0, %c0_i32 : i32, i32
  }
  func.func @transform_12(%arg0: i32) -> i32 {
    %add3A = arith.constant 0 : i32
    %add3A_0 = arith.addi %arg0, %add3A : i32
    %c0_i32 = arith.constant 0 : i32
    return %add3A_0 : i32
  }
}

</mosaic_0001>

<sc_bundles>
// kernel: kernel.6.cloned.1.call-start
scs
__scs_entry_jumppad:
0x0: {  	(pc) =	sbr.rel $0x88, $3  }
0x1: {  	(tag) =	ssettag $0x0;
	lr =	simm.s32 $0x1  }
0x2: {  	[smem:$0x3F96] =	sst lr;
	_ =	strace $0xD0000000  }
0x3: {  	_ = 	snop  }
0x4: {  	_ = 	snop  }
0x5: {  	_ = 	snop  }
0x6: {  	_ = 	snop  }
0x7: {  	_ = 	snop  }
__scs_overlays_trampoline_lowered:
0x8: {  	[smem:$0x3FA5] =	sst s0  }
0x9: {  	[smem:$0x3FA6] =	sst s1  }
0xa: {  	[smem:$0x3FA7] =	sst s2  }
0xb: {  	[smem:$0x3FA8] =	sst s3  }
0xc: {  	[smem:$0x3FA9] =	sst s4  }
0xd: {  	[smem:$0x3FAA] =	sst s5  }
0xe: {  	[smem:$0x3FAB] =	sst s6  }
0xf: {  	[smem:$0x3FAC] =	sst s7  }
0x10: {  	[smem:$0x3FAD] =	sst s8  }
0x11: {  	[smem:$0x3FAE] =	sst s9;
	s0 =	simm.s32 @!p0 $0x0  }
0x12: {  	s1 =	sld [smem:$0x3F94];
	s0 =	simm.s32 @p0 $0x1  }
0x13: {  	[smem:$0x3FAF] =	sst s0;
	s0 =	simm.s32 @!p1 $0x0  }
0x14: {  	s2 =	sld [smem:$0x3F93];
	s0 =	simm.s32 @p1 $0x1  }
0x15: {  	[smem:$0x3FB0] =	sst s0;
	s0 =	simm.s32 @!p2 $0x0  }
0x16: {  	s3 =	sld [smem:$0x3FDB];
	s0 =	simm.s32 @p2 $0x1  }
0x17: {  	s4 =	simm.s32 $0x1BF5;
	[smem:$0x3FB2] =	sst s0  }
0x18: {  	s0 =	sld [smem:$0x3F95];
	_ =	swait.ge [sflag:s4], $0x0  }
0x19: {  	s7 =	sld [smem:$0x3F96]  }
0x1a: {  	s8 =	sadd.s32 $0xFFFFE003, lr  }
0x1b: {  	s9 =	sadd.s32 $0xFFFFFEF7, lr;
	s5 =	simm.s32 $0xFFFFFFFF;
	p2 =	slt.u32 s8, $0xFFFFF086  }
0x1c: {  	p1 =	slt.u32 s9, $0xF7A;
	s5 =	simm.s32 @!p2 $0x0  }
0x1d: {  	s5 =	simm.s32 @p1 $0x1;
	p0 =	seq.s32 s7, s2  }
0x1e: {  	s7 =	smul.u32 @!p0 $0xF7A, s2;
	p2 =	seq.s32 @!p0 s5, $0x0  }
0x1f: {  	s9 =	smul.u32 $0xF7A, s1;
	s8 =	simm.s32 @!p0 $0x1BF5;
	p2 =	por !p2, p0  }
0x20: {  	[sflag:s8] =	ssyncset.s32 @!p0 $0xFFFFF086;
	s6 =	sadd.s32 @!p0 s3, s7;
	s7 =	simm.s32 @!p0 $0x108  }
0x21: {  	s3 =	sadd.s32 s3, s9;
	s6 =	sadd.s32 @!p0 $0x88, s6;
	s7 =	simm.s32 @p2 $0x1082  }
0x22: {  	[simem:s7], [sflag:s8] =	dma.local @!p0 [hbm:s6], $0xF7A  }
0x23: {  	s9 =	sor.u32 $0xD0000000, s2;
	s6 =	simm.s32 $0x108;
	_ =	swait.ge @!p0 [sflag:s8], $0x0  }
0x24: {  	s3 =	sadd.s32 $0x88, s3;
	s6 =	simm.s32 @!p1 $0x1082;
	[sflag:s4] =	ssyncset.s32 $0xFFFFF086  }
0x25: {  	[simem:s6], [sflag:s4] =	dma.local [hbm:s3], $0xF7A  }
0x26: {  	[smem:$0x3F96] =	sst s1;
	(tag) =	ssettag s2;
	_ =	strace s9  }
0x27: {  	s1 =	sld [smem:$0x3FA6]  }
0x28: {  	s2 =	sld [smem:$0x3FA7]  }
0x29: {  	s4 =	sld [smem:$0x3FA9]  }
0x2a: {  	p0 =	seq.s32 s5, $0x0;
	s5 =	sld [smem:$0x3FAA]  }
0x2b: {  	s6 =	sld [smem:$0x3FAB]  }
0x2c: {  	s7 =	sld [smem:$0x3FAC]  }
0x2d: {  	s3 =	simm.s32 $0x108;
	s8 =	sld [smem:$0x3FAD]  }
0x2e: {  	s3 =	simm.s32 @!p0 $0x1082;
	s9 =	sld [smem:$0x3FAE]  }
0x2f: {  	lr =	sadd.s32 s0, s3;
	s0 =	sld [smem:$0x3FA5]  }
0x30: {  	s3 =	sld [smem:$0x3FA8]  }
0x31: {  	[smem:$0x3FB1] =	sst s10  }
0x32: {  	s10 =	sld [smem:$0x3FAF];
	_ =	sdelay $0x3  }
0x33: {  	p0 =	seq.s32 s10, $0x1;
	s10 =	sld [smem:$0x3FB1];
	_ =	sdelay $0x3  }
0x34: {  	[smem:$0x3FB1] =	sst s10  }
0x35: {  	s10 =	sld [smem:$0x3FB0];
	_ =	sdelay $0x3  }
0x36: {  	p1 =	seq.s32 s10, $0x1;
	s10 =	sld [smem:$0x3FB1];
	_ =	sdelay $0x3  }
0x37: {  	[smem:$0x3FB1] =	sst s10  }
0x38: {  	s10 =	sld [smem:$0x3FB2]  }
0x39: {  	_ = 	snop;
	(pc) =	sbr.ind lr, $3  }
0x3a: {  	_ = 	snop  }
0x3b: {  	_ = 	snop  }
0x3c: {  	p2 =	seq.s32 s10, $0x1;
	s10 =	sld [smem:$0x3FB1]  }
0x3d: {  	_ =	shalt  }
0x3e: {  	_ =	shalt  }
0x3f: {  	_ =	shalt  }
0x40: {  	_ =	shalt  }
0x41: {  	_ =	shalt  }
0x42: {  	_ =	shalt  }
0x43: {  	_ =	shalt  }
0x44: {  	_ =	shalt  }
0x45: {  	_ =	shalt  }
0x46: {  	_ =	shalt  }
0x47: {  	_ =	shalt  }
0x48: {  	_ =	shalt  }
0x49: {  	_ =	shalt  }
0x4a: {  	_ =	shalt  }
0x4b: {  	_ =	shalt  }
0x4c: {  	_ =	shalt  }
0x4d: {  	_ =	shalt  }
0x4e: {  	_ =	shalt  }
0x4f: {  	_ =	shalt  }
0x50: {  	_ =	shalt  }
0x51: {  	_ =	shalt  }
0x52: {  	_ =	shalt  }
0x53: {  	_ =	shalt  }
0x54: {  	_ =	shalt  }
0x55: {  	_ =	shalt  }
0x56: {  	_ =	shalt  }
0x57: {  	_ =	shalt  }
0x58: {  	_ =	shalt  }
0x59: {  	_ =	shalt  }
0x5a: {  	_ =	shalt  }
0x5b: {  	_ =	shalt  }
0x5c: {  	_ =	shalt  }
0x5d: {  	_ =	shalt  }
0x5e: {  	_ =	shalt  }
0x5f: {  	_ =	shalt  }
0x60: {  	_ =	shalt  }
0x61: {  	_ =	shalt  }
0x62: {  	_ =	shalt  }
0x63: {  	_ =	shalt  }
0x64: {  	_ =	shalt  }
0x65: {  	_ =	shalt  }
0x66: {  	_ =	shalt  }
0x67: {  	_ =	shalt  }
0x68: {  	_ =	shalt  }
0x69: {  	_ =	shalt  }
0x6a: {  	_ =	shalt  }
0x6b: {  	_ =	shalt  }
0x6c: {  	_ =	shalt  }
0x6d: {  	_ =	shalt  }
0x6e: {  	_ =	shalt  }
0x6f: {  	_ =	shalt  }
0x70: {  	_ =	shalt  }
0x71: {  	_ =	shalt  }
0x72: {  	_ =	shalt  }
0x73: {  	_ =	shalt  }
0x74: {  	_ =	shalt  }
0x75: {  	_ =	shalt  }
0x76: {  	_ =	shalt  }
0x77: {  	_ =	shalt  }
0x78: {  	_ =	shalt  }
0x79: {  	_ =	shalt  }
0x7a: {  	_ =	shalt  }
0x7b: {  	_ =	shalt  }
0x7c: {  	_ =	shalt  }
0x7d: {  	_ =	shalt  }
0x7e: {  	_ =	shalt  }
0x7f: {  	_ =	shalt  }
0x80: {  	_ =	shalt  }
0x81: {  	_ =	shalt  }
0x82: {  	_ =	shalt  }
0x83: {  	_ =	shalt  }
0x84: {  	_ =	shalt  }
0x85: {  	_ =	shalt  }
0x86: {  	_ =	shalt  }
0x87: {  	_ =	shalt  }
.Lfunc_end0:
.L_simem_size_0:
called_computation_lowered:
.L_overlay_start_0:
0x88: {  	s2 =	sld [smem:$0x3FD9]  }
0x89: {  	s3 =	sld [smem:$0x3FFE];
	_ =	sdelay $0x1  }
0x8a: {  	s1 =	srdreg.scid  }
0x8b: {  	s0 =	sand.u32 $0x1, s1  }
0x8c: {  	s14 =	sshll.u32 s0, $0xA;
	s2 =	sadd.s32 s3, s2  }
0x8d: {  	s2 =	sadd.s32 s2, s14  }
0x8e: {  	[smem:$0x3FBD] =	sst s2  }
0x8f: {  	_ = 	snop  }
0x90: {  	s2 =	sld [smem:$0x3FC9]  }
0x91: {  	s15 =	sld [smem:$0x3FC8]  }
0x92: {  	s4 =	sld [smem:$0x3FD0]  }
0x93: {  	s5 =	sld [smem:$0x3FC7]  }
0x94: {  	s6 =	sld [smem:$0x3FC6]  }
0x95: {  	s8 =	simm.s32 $0xB;
	s9 =	simm.s32 $0x10;
	s7 =	sld [smem:$0x3FC5]  }
0x96: {  	[smem:s9], [sflag:s8] =	dma.local [hbm:s4], $0x1  }
0x97: {  	_ =	swait.eq [sflag:s8], $0x1  }
0x98: {  	[sflag:s8] =	ssyncset.done $0x0  }
0x99: {  	[sflag:s8] =	ssyncadd.s32 $0xFFFFFFFF  }
0x9a: {  	s16 =	sld [smem:$0x10];
	(tm) =	ssettm $0x1  }
0x9b: {  	s17 =	sld [smem:$0x3FFB];
	_ =	sdelay $0x3  }
0x9c: {  	_ =	strace s17  }
0x9d: {  	s8 =	sld [smem:$0x3FFC];
	_ =	sdelay $0x3  }
0x9e: {  	_ =	strace s8  }
0x9f: {  	s8 =	sld [smem:$0x3FFD];
	_ =	sdelay $0x3  }
0xa0: {  	_ =	strace s8  }
0xa1: {  	_ =	strace $0x8FFFFFFF  }
0xa2: {  	s18 =	sld [smem:$0x3FDB];
	_ =	sdelay $0x1  }
0xa3: {  	s19 =	simm.s32 $_scs_section_size  }
0xa4: {  	s10 =	simm.s32 $_size__tile_overlayer_lowered;
	s11 =	simm.s32 $_tile_overlayer_lowered  }
0xa5: {  	s22 =	simm.s32 $0x1BFF;
	s21 =	sshll.u32 s11, $0x1;
	s8 =	sadd.s32 s19, s18  }
0xa6: {  	s12 =	simm.s32 $0x0;
	s20 =	sshll.u32 s10, $0x1;
	s10 =	sadd.s32 s21, s8  }
0xa7: {  	[timem:s12], [sflag:s22] =	dma.local [hbm:s10], s20  }
0xa8: {  	_ =	swait.ge [sflag:s22], s20  }
0xa9: {  	s9 =	ssub.s32 $0x0, s20;
	[sflag:s22] =	ssyncset.done $0x0  }
0xaa: {  	[sflag:s22] =	ssyncadd.s32 s9;
	_ =	sdelay $0x1  }
0xab: {  	s23 =	simm.s32 $0x1B8B  }
0xac: {  	_ =	swait.ge [sflag:s23], $0x1  }
0xad: {  	[sflag:s23] =	ssyncset.done $0x0  }
0xae: {  	s25 =	simm.s32 $0x1B8E;
	s24 =	sld [smem:$0x3FFE];
	[sflag:s23] =	ssyncadd.s32 $0xFFFFFFFF  }
0xaf: {  	s26 =	simm.s32 $execute0_lowered;
	[smem:$0x3FD2] =	sst s25  }
0xb0: {  	s10 =	sshll.u32 s26, $0x1;
	_ =	strace $0x80000046;
	[dreg:$0x1] =	wrdreg $0xFFFFFFFF  }
0xb1: {  	s28 =	simm.s32 $_size_execute0_lowered;
	s8 =	sadd.s32 s8, s10;
	[dreg:$0x0] =	wrdreg $0x0  }
0xb2: {  	s10 =	sshll.u32 s28, $0x1;
	[dreg:$0x2] =	wrdreg s8  }
0xb3: {  	[dreg:$0x3] =	wrdreg s10  }
0xb4: {  	[dreg:$0x4] =	wrdreg $0xC0  }
0xb5: {  	_ =	task [dreg:s12], $0x5FFFF  }
0xb6: {  	[dreg:$0x1] =	wrdreg $0xFFFFFFFF  }
0xb7: {  	[dreg:$0x0] =	wrdreg $0x60  }
0xb8: {  	[dreg:$0x2] =	wrdreg s2  }
0xb9: {  	[dreg:$0x3] =	wrdreg s15  }
0xba: {  	[dreg:$0x4] =	wrdreg s5  }
0xbb: {  	[dreg:$0x5] =	wrdreg s6  }
0xbc: {  	[dreg:$0x6] =	wrdreg s7  }
0xbd: {  	[dreg:$0x7] =	wrdreg s16  }
0xbe: {  	[dreg:$0x8] =	wrdreg s24  }
0xbf: {  	[dreg:$0x9] =	wrdreg $0x9  }
0xc0: {  	_ =	task.clear_ibuf [dreg:s12], $0xAFFFF;
	_ =	strace $0x90000046  }
0xc1: {  	s29 =	simm.s32 $0x9;
	_ =	strace $0x80000048  }
0xc2: {  	_ =	swait.ge [sflag:s29], $0x1  }
0xc3: {  	[sflag:s29] =	ssyncadd.s32 $0xFFFFFFFF  }
0xc4: {  	_ =	strace $0x90000048  }
0xc5: {  	_ =	sfence  }
0xc6: {  	s30 =	sld [smem:$0x0];
	_ =	sdelay $0x2  }
0xc7: {  	s31 =	sshll.u32 s1, $0xD;
	s1 =	sshrl.u32 s1, $0x2  }
0xc8: {  	s3 =	sand.u32 $0x4000, s31;
	s1 =	sadd.s32 s1, s30  }
0xc9: {  	s0 =	sor.u32 s3, s0;
	s1 =	sshll.u32 s1, $0x11  }
0xca: {  	s0 =	sor.u32 s1, s0  }
0xcb: {  	s0 =	sadd.s32 $0x8F2B, s0  }
0xcc: {  	[sflag:s0] =	ssyncadd.remote.s32 $0x1  }
0xcd: {  	_ =	sfence.sel $0xFFFF  }
0xce: {  	[dreg:$0x0] =	wrdreg $0xFFFFFFFF;
	(pc) =	sbr.abs _section_cstart, $3  }
0xcf: {  	[dreg:$0x1] =	wrdreg $0xFFFFFFFF  }
0xd0: {  	_ =	task.clear_ibuf [dreg:s12], $0x2FFFF;
	_ =	strace $0x9FFFFFFF  }
0xd1: {  	(tm) =	ssettm $0x7FFFFFFF  }
tec
execute0_lowered:
.L_overlay_start_1:
0x0: {  	(tag) =	ssettag $0x1  }
0x1: {  	s0 =	rddreg [dreg:$0x0]  }
0x2: {  	s3 =	rddreg [dreg:$0x3]  }
0x3: {  	s4 =	rddreg [dreg:$0x4]  }
0x4: {  	s1 =	rddreg [dreg:$0x5]  }
0x5: {  	s2 =	rddreg [dreg:$0x6]  }
0x6: {  	s5 =	srdreg.scid;
	s7 =	stileid.u32;
	s6 =	simm.s32 $0x0  }
0x7: {  	s31 =	simm.s32 $0x180;
	s14 =	simm.s32 $0x3A00;
	s15 =	simm.s32 $0x4200  }
0x8: {  	s16 =	simm.s32 $0x4A00;
	s17 =	simm.s32 $0x5200;
	s18 =	simm.s32 $0x5A00  }
0x9: {  	s19 =	simm.s32 $0x6200;
	s28 =	simm.s32 $0x9200;
	s13 =	simm.s32 $0xA200  }
0xa: {  	s30 =	simm.s32 $0xAA00;
	s5 =	sand.u32 $0x1, s5;
	s7 =	sshll.u32 s7, $0x9  }
0xb: {  	[smem:$0x7FF] =	sst s6;
	s9 =	sadd.s32 $0x42A00, s2;
	s12 =	sadd.s32 $0x2A00, s2  }
0xc: {  	s2 =	sadd.s32 $0x22A00, s2;
	s8 =	sshll.u32 s5, $0x8;
	_ =	strace $0x80000047  }
0xd: {  	s5 =	ssub.s32 $0x2, s5;
	[dreg:$0x11] =	wrdreg s31;
	s7 =	sor.u32 s8, s7  }
0xe: {  	s26 =	sshrl.u32 s5, $0x1;
	s8 =	sshrl.u32 s7, $0x2;
	s20 =	sshrl.u32 s7, $0x3  }
0xf: {  	s10 =	sshll.u32 s7, $0x5;
	s7 =	sshll.u32 s7, $0x4;
	s5 =	ssub.s32 s5, s26  }
0x10: {  	s26 =	simm.s32 $0x8200;
	s8 =	sadd.s32 s0, s8;
	s0 =	sor.u32 $0x10, s20  }
0x11: {  	s21 =	sadd.s32 s1, s10;
	s22 =	sadd.s32 s9, s10;
	[dreg:$0x12] =	wrdreg s8  }
0x12: {  	s24 =	sadd.s32 s12, s7;
	s29 =	sadd.s32 s2, s7;
	[dreg:$0x9] =	wrdreg s21  }
0x13: {  	s10 =	simm.s32 $0x3;
	s7 =	simm.s32 $0x3200;
	[dreg:$0xb] =	wrdreg s22  }
0x14: {  	s20 =	simm.s32 $0x6A00;
	s8 =	sadd.s32 $0x10, s8;
	[dreg:$0xd] =	wrdreg s24  }
0x15: {  	s11 =	sshll.u32 s0, $0x8;
	s0 =	sshll.u32 s0, $0x7;
	[dreg:$0xf] =	wrdreg s29  }
0x16: {  	s24 =	simm.s32 $0x5;
	s21 =	simm.s32 $0x7200;
	s22 =	simm.s32 $0x7A00  }
0x17: {  	[dreg:$0x8] =	wrdreg s8;
	s1 =	sadd.s32 s1, s11;
	s23 =	sadd.s32 s9, s11  }
0x18: {  	s25 =	sadd.s32 s12, s0;
	s0 =	sadd.s32 s2, s0;
	[dreg:$0xa] =	wrdreg s1  }
0x19: {  	v2 =	vlaneseq.u32;
	s8 =	smax.u32 s5, $0x1;
	s12 =	simm.s32 $0x4;
	[dreg:$0xc] =	wrdreg s23  }
0x1a: {  	vm0 =	vmmov $0xffff;
	v1 =	vshrl.u32 v2, $0x3;
	s5 =	simm.s32 $0x1A00;
	s9 =	simm.s32 $0x2200;
	[dreg:$0xe] =	wrdreg s25  }
0x1b: {  	v0 =	vand.u32 $0x7, v2;
	v2 =	vor.u32 $0x8, v2;
	v1 =	vmul.u32 $0x8, v1;
	[dreg:$0x10] =	wrdreg s0;
	s23 =	simm.s32 $0x80;
	s25 =	simm.s32 $0xB200  }
.LBB2_1:
0x1c: {  	s31 =	rddreg [dreg:$0x12];
	s0 =	simm.s32 $0x100  }
0x1d: {  	[tilespmem:s6], [sflag:$0x3] =	stream.strided.gather [hbm4b:s31+s23], $0x100, s0, s23, $0x38;
	[tilespmem:$0x18200] =	vst v63  }
0x1e: {  	s29 =	rddreg [dreg:$0x8]  }
0x1f: {  	[tilespmem:s0], [sflag:$0x4] =	stream.strided.gather [hbm4b:s29+s23], $0x100, s0, s23, $0x38;
	[tilespmem:$0x18200] =	vst v63  }
0x20: {  	_ =	swait.ge [sflag:s10], $0x100  }
0x21: {  	[sflag:s10] =	ssyncset.done $0x0  }
0x22: {  	[sflag:s10] =	ssyncadd.s32 $0xFFFFFF00  }
0x23: {  	_ =	swait.ge [sflag:s12], $0x100  }
0x24: {  	[sflag:s12] =	ssyncset.done $0x0  }
0x25: {  	[sflag:s12] =	ssyncadd.s32 $0xFFFFFF00  }
0x26: {  	v3 =	vld [tilespmem:$0x0];
	_ =	sdelay $0x4  }
0x27: {  	v4 =	vshll.u32 v3, $0x1  }
0x28: {  	v3 =	vand.u32 $0x7, v3;
	v4 =	vand.u32 $0xFFFFFFF0, v4  }
0x29: {  	v3 =	vor.u32 v3, v4  }
0x2a: {  	v4 =	vperm.xlane v3, v0;
	_ =	sdelay $0x1  }
0x2b: {  	v3 =	vperm.xlane v3, v2;
	v4 =	vadd.s32 v1, v4;
	_ =	sdelay $0x1  }
0x2c: {  	v3 =	vadd.s32 v1, v3;
	_ =	sdelay $0x1  }
0x2d: {  	s11 =	simm.s32 $0x200  }
0x2e: {  	[tilespmem:s11], [sflag:$0x1] =	stream.indirect_vreg.gather [hbm4b:s3+s6], $0x80, v4, vm0, $0xb8;
	[tilespmem:$0x18200] =	vst v63  }
0x2f: {  	s31 =	simm.s32 $0xA00  }
0x30: {  	[tilespmem:s31], [sflag:$0x1] =	stream.indirect_vreg.gather [hbm4b:s3+s6], $0x80, v3, vm0, $0xb8;
	[tilespmem:$0x18200] =	vst v63  }
0x31: {  	v3 =	vld [tilespmem:$0x10];
	_ =	sdelay $0x4  }
0x32: {  	v33 =	vshll.u32 v3, $0x1  }
0x33: {  	v3 =	vand.u32 $0x7, v3;
	v4 =	vand.u32 $0xFFFFFFF0, v33  }
0x34: {  	v3 =	vor.u32 v3, v4  }
0x35: {  	v4 =	vperm.xlane v3, v0;
	_ =	sdelay $0x1  }
0x36: {  	v3 =	vperm.xlane v3, v2;
	v4 =	vadd.s32 v1, v4;
	_ =	sdelay $0x1  }
0x37: {  	v3 =	vadd.s32 v1, v3;
	_ =	sdelay $0x1  }
0x38: {  	s1 =	simm.s32 $0x1200  }
0x39: {  	[tilespmem:s1], [sflag:$0x1] =	stream.indirect_vreg.gather [hbm4b:s3+s6], $0x80, v4, vm0, $0xb8;
	[tilespmem:$0x18200] =	vst v63  }
0x3a: {  	_ = 	snop  }
0x3b: {  	[tilespmem:s5], [sflag:$0x1] =	stream.indirect_vreg.gather [hbm4b:s3+s6], $0x80, v3, vm0, $0xb8;
	[tilespmem:$0x18200] =	vst v63  }
0x3c: {  	v3 =	vld [tilespmem:$0x20];
	_ =	sdelay $0x4  }
0x3d: {  	v34 =	vshll.u32 v3, $0x1  }
0x3e: {  	v3 =	vand.u32 $0x7, v3;
	v4 =	vand.u32 $0xFFFFFFF0, v34  }
0x3f: {  	v3 =	vor.u32 v3, v4  }
0x40: {  	v4 =	vperm.xlane v3, v0;
	_ =	sdelay $0x1  }
0x41: {  	v3 =	vperm.xlane v3, v2;
	v4 =	vadd.s32 v1, v4;
	_ =	sdelay $0x1  }
0x42: {  	v3 =	vadd.s32 v1, v3;
	_ =	sdelay $0x2  }
0x43: {  	[tilespmem:s9], [sflag:$0x1] =	stream.indirect_vreg.gather [hbm4b:s3+s6], $0x80, v4, vm0, $0xb8;
	[tilespmem:$0x18200] =	vst v63  }
0x44: {  	s2 =	simm.s32 $0x2A00  }
0x45: {  	[tilespmem:s2], [sflag:$0x1] =	stream.indirect_vreg.gather [hbm4b:s3+s6], $0x80, v3, vm0, $0xb8;
	[tilespmem:$0x18200] =	vst v63  }
0x46: {  	v3 =	vld [tilespmem:$0x30];
	_ =	sdelay $0x4  }
0x47: {  	v35 =	vshll.u32 v3, $0x1  }
0x48: {  	v3 =	vand.u32 $0x7, v3;
	v4 =	vand.u32 $0xFFFFFFF0, v35  }
0x49: {  	v3 =	vor.u32 v3, v4  }
0x4a: {  	v4 =	vperm.xlane v3, v0;
	_ =	sdelay $0x1  }
0x4b: {  	v3 =	vperm.xlane v3, v2;
	v4 =	vadd.s32 v1, v4;
	_ =	sdelay $0x1  }
0x4c: {  	v3 =	vadd.s32 v1, v3;
	_ =	sdelay $0x2  }
0x4d: {  	[tilespmem:s7], [sflag:$0x1] =	stream.indirect_vreg.gather [hbm4b:s3+s6], $0x80, v4, vm0, $0xb8;
	[tilespmem:$0x18200] =	vst v63  }
0x4e: {  	_ = 	snop  }
0x4f: {  	[tilespmem:s14], [sflag:$0x1] =	stream.indirect_vreg.gather [hbm4b:s3+s6], $0x80, v3, vm0, $0xb8;
	[tilespmem:$0x18200] =	vst v63  }
0x50: {  	v3 =	vld [tilespmem:$0x40];
	_ =	sdelay $0x4  }
0x51: {  	v36 =	vshll.u32 v3, $0x1  }
0x52: {  	v3 =	vand.u32 $0x7, v3;
	v4 =	vand.u32 $0xFFFFFFF0, v36  }
0x53: {  	v3 =	vor.u32 v3, v4  }
0x54: {  	v4 =	vperm.xlane v3, v0;
	_ =	sdelay $0x1  }
0x55: {  	v3 =	vperm.xlane v3, v2;
	v4 =	vadd.s32 v1, v4;
	_ =	sdelay $0x1  }
0x56: {  	v3 =	vadd.s32 v1, v3;
	_ =	sdelay $0x2  }
0x57: {  	[tilespmem:s15], [sflag:$0x1] =	stream.indirect_vreg.gather [hbm4b:s3+s6], $0x80, v4, vm0, $0xb8;
	[tilespmem:$0x18200] =	vst v63  }
0x58: {  	_ = 	snop  }
0x59: {  	[tilespmem:s16], [sflag:$0x1] =	stream.indirect_vreg.gather [hbm4b:s3+s6], $0x80, v3, vm0, $0xb8;
	[tilespmem:$0x18200] =	vst v63  }
0x5a: {  	v3 =	vld [tilespmem:$0x50];
	_ =	sdelay $0x4  }
0x5b: {  	v37 =	vshll.u32 v3, $0x1  }
0x5c: {  	v3 =	vand.u32 $0x7, v3;
	v4 =	vand.u32 $0xFFFFFFF0, v37  }
0x5d: {  	v3 =	vor.u32 v3, v4  }
0x5e: {  	v4 =	vperm.xlane v3, v0;
	_ =	sdelay $0x1  }
0x5f: {  	v3 =	vperm.xlane v3, v2;
	v4 =	vadd.s32 v1, v4;
	_ =	sdelay $0x1  }
0x60: {  	v3 =	vadd.s32 v1, v3;
	_ =	sdelay $0x2  }
0x61: {  	[tilespmem:s17], [sflag:$0x1] =	stream.indirect_vreg.gather [hbm4b:s3+s6], $0x80, v4, vm0, $0xb8;
	[tilespmem:$0x18200] =	vst v63  }
0x62: {  	_ = 	snop  }
0x63: {  	[tilespmem:s18], [sflag:$0x1] =	stream.indirect_vreg.gather [hbm4b:s3+s6], $0x80, v3, vm0, $0xb8;
	[tilespmem:$0x18200] =	vst v63  }
0x64: {  	v3 =	vld [tilespmem:$0x60];
	_ =	sdelay $0x4  }
0x65: {  	v38 =	vshll.u32 v3, $0x1  }
0x66: {  	v3 =	vand.u32 $0x7, v3;
	v4 =	vand.u32 $0xFFFFFFF0, v38  }
0x67: {  	v3 =	vor.u32 v3, v4  }
0x68: {  	v4 =	vperm.xlane v3, v0;
	_ =	sdelay $0x1  }
0x69: {  	v3 =	vperm.xlane v3, v2;
	v4 =	vadd.s32 v1, v4;
	_ =	sdelay $0x1  }
0x6a: {  	v3 =	vadd.s32 v1, v3;
	_ =	sdelay $0x2  }
0x6b: {  	[tilespmem:s19], [sflag:$0x1] =	stream.indirect_vreg.gather [hbm4b:s3+s6], $0x80, v4, vm0, $0xb8;
	[tilespmem:$0x18200] =	vst v63  }
0x6c: {  	_ = 	snop  }
0x6d: {  	[tilespmem:s20], [sflag:$0x1] =	stream.indirect_vreg.gather [hbm4b:s3+s6], $0x80, v3, vm0, $0xb8;
	[tilespmem:$0x18200] =	vst v63  }
0x6e: {  	v3 =	vld [tilespmem:$0x70];
	_ =	sdelay $0x4  }
0x6f: {  	v39 =	vshll.u32 v3, $0x1  }
0x70: {  	v3 =	vand.u32 $0x7, v3;
	v4 =	vand.u32 $0xFFFFFFF0, v39  }
0x71: {  	v3 =	vor.u32 v3, v4  }
0x72: {  	v4 =	vperm.xlane v3, v0;
	_ =	sdelay $0x1  }
0x73: {  	v3 =	vperm.xlane v3, v2;
	v4 =	vadd.s32 v1, v4;
	_ =	sdelay $0x1  }
0x74: {  	v3 =	vadd.s32 v1, v3;
	_ =	sdelay $0x2  }
0x75: {  	[tilespmem:s21], [sflag:$0x1] =	stream.indirect_vreg.gather [hbm4b:s3+s6], $0x80, v4, vm0, $0xb8;
	[tilespmem:$0x18200] =	vst v63  }
0x76: {  	_ = 	snop  }
0x77: {  	[tilespmem:s22], [sflag:$0x1] =	stream.indirect_vreg.gather [hbm4b:s3+s6], $0x80, v3, vm0, $0xb8;
	[tilespmem:$0x18200] =	vst v63  }
0x78: {  	v3 =	vld [tilespmem:$0x80];
	_ =	sdelay $0x4  }
0x79: {  	v40 =	vshll.u32 v3, $0x1  }
0x7a: {  	v3 =	vand.u32 $0x7, v3;
	v4 =	vand.u32 $0xFFFFFFF0, v40  }
0x7b: {  	v3 =	vor.u32 v3, v4  }
0x7c: {  	v4 =	vperm.xlane v3, v0;
	_ =	sdelay $0x1  }
0x7d: {  	v3 =	vperm.xlane v3, v2;
	v4 =	vadd.s32 v1, v4;
	_ =	sdelay $0x1  }
0x7e: {  	v3 =	vadd.s32 v1, v3;
	_ =	sdelay $0x2  }
0x7f: {  	[tilespmem:s26], [sflag:$0x2] =	stream.indirect_vreg.gather [hbm4b:s3+s6], $0x80, v4, vm0, $0xb8;
	[tilespmem:$0x18200] =	vst v63  }
0x80: {  	s29 =	simm.s32 $0x8A00  }
0x81: {  	[tilespmem:s29], [sflag:$0x2] =	stream.indirect_vreg.gather [hbm4b:s3+s6], $0x80, v3, vm0, $0xb8;
	[tilespmem:$0x18200] =	vst v63  }
0x82: {  	v3 =	vld [tilespmem:$0x90];
	_ =	sdelay $0x4  }
0x83: {  	v41 =	vshll.u32 v3, $0x1  }
0x84: {  	v3 =	vand.u32 $0x7, v3;
	v4 =	vand.u32 $0xFFFFFFF0, v41  }
0x85: {  	v3 =	vor.u32 v3, v4  }
0x86: {  	v4 =	vperm.xlane v3, v0;
	_ =	sdelay $0x1  }
0x87: {  	v3 =	vperm.xlane v3, v2;
	v4 =	vadd.s32 v1, v4;
	_ =	sdelay $0x1  }
0x88: {  	v3 =	vadd.s32 v1, v3;
	_ =	sdelay $0x2  }
0x89: {  	[tilespmem:s28], [sflag:$0x2] =	stream.indirect_vreg.gather [hbm4b:s3+s6], $0x80, v4, vm0, $0xb8;
	[tilespmem:$0x18200] =	vst v63  }
0x8a: {  	s11 =	simm.s32 $0x9A00  }
0x8b: {  	[tilespmem:s11], [sflag:$0x2] =	stream.indirect_vreg.gather [hbm4b:s3+s6], $0x80, v3, vm0, $0xb8;
	[tilespmem:$0x18200] =	vst v63  }
0x8c: {  	v3 =	vld [tilespmem:$0xA0];
	_ =	sdelay $0x4  }
0x8d: {  	v42 =	vshll.u32 v3, $0x1  }
0x8e: {  	v3 =	vand.u32 $0x7, v3;
	v4 =	vand.u32 $0xFFFFFFF0, v42  }
0x8f: {  	v3 =	vor.u32 v3, v4  }
0x90: {  	v4 =	vperm.xlane v3, v0;
	_ =	sdelay $0x1  }
0x91: {  	v3 =	vperm.xlane v3, v2;
	v4 =	vadd.s32 v1, v4;
	_ =	sdelay $0x1  }
0x92: {  	v3 =	vadd.s32 v1, v3;
	_ =	sdelay $0x2  }
0x93: {  	[tilespmem:s13], [sflag:$0x2] =	stream.indirect_vreg.gather [hbm4b:s3+s6], $0x80, v4, vm0, $0xb8;
	[tilespmem:$0x18200] =	vst v63  }
0x94: {  	_ = 	snop  }
0x95: {  	[tilespmem:s30], [sflag:$0x2] =	stream.indirect_vreg.gather [hbm4b:s3+s6], $0x80, v3, vm0, $0xb8;
	[tilespmem:$0x18200] =	vst v63  }
0x96: {  	v3 =	vld [tilespmem:$0xB0];
	_ =	sdelay $0x4  }
0x97: {  	v43 =	vshll.u32 v3, $0x1  }
0x98: {  	v3 =	vand.u32 $0x7, v3;
	v4 =	vand.u32 $0xFFFFFFF0, v43  }
0x99: {  	v3 =	vor.u32 v3, v4  }
0x9a: {  	v4 =	vperm.xlane v3, v0;
	_ =	sdelay $0x1  }
0x9b: {  	v3 =	vperm.xlane v3, v2;
	v4 =	vadd.s32 v1, v4;
	_ =	sdelay $0x1  }
0x9c: {  	v3 =	vadd.s32 v1, v3;
	_ =	sdelay $0x2  }
0x9d: {  	[tilespmem:s25], [sflag:$0x2] =	stream.indirect_vreg.gather [hbm4b:s3+s6], $0x80, v4, vm0, $0xb8;
	[tilespmem:$0x18200] =	vst v63  }
0x9e: {  	s29 =	simm.s32 $0xBA00  }
0x9f: {  	[tilespmem:s29], [sflag:$0x2] =	stream.indirect_vreg.gather [hbm4b:s3+s6], $0x80, v3, vm0, $0xb8;
	[tilespmem:$0x18200] =	vst v63  }
0xa0: {  	v3 =	vld [tilespmem:$0xC0];
	_ =	sdelay $0x4  }
0xa1: {  	v44 =	vshll.u32 v3, $0x1  }
0xa2: {  	v3 =	vand.u32 $0x7, v3;
	v4 =	vand.u32 $0xFFFFFFF0, v44  }
0xa3: {  	v3 =	vor.u32 v3, v4  }
0xa4: {  	v4 =	vperm.xlane v3, v0;
	_ =	sdelay $0x1  }
0xa5: {  	v3 =	vperm.xlane v3, v2;
	v4 =	vadd.s32 v1, v4;
	_ =	sdelay $0x1  }
0xa6: {  	v3 =	vadd.s32 v1, v3;
	_ =	sdelay $0x1  }
0xa7: {  	s11 =	simm.s32 $0xC200  }
0xa8: {  	[tilespmem:s11], [sflag:$0x2] =	stream.indirect_vreg.gather [hbm4b:s3+s6], $0x80, v4, vm0, $0xb8;
	[tilespmem:$0x18200] =	vst v63  }
0xa9: {  	s29 =	simm.s32 $0xCA00  }
0xaa: {  	[tilespmem:s29], [sflag:$0x2] =	stream.indirect_vreg.gather [hbm4b:s3+s6], $0x80, v3, vm0, $0xb8;
	[tilespmem:$0x18200] =	vst v63  }
0xab: {  	v3 =	vld [tilespmem:$0xD0];
	_ =	sdelay $0x4  }
0xac: {  	v45 =	vshll.u32 v3, $0x1  }
0xad: {  	v3 =	vand.u32 $0x7, v3;
	v4 =	vand.u32 $0xFFFFFFF0, v45  }
0xae: {  	v3 =	vor.u32 v3, v4  }
0xaf: {  	v4 =	vperm.xlane v3, v0;
	_ =	sdelay $0x1  }
0xb0: {  	v3 =	vperm.xlane v3, v2;
	v4 =	vadd.s32 v1, v4;
	_ =	sdelay $0x1  }
0xb1: {  	v3 =	vadd.s32 v1, v3;
	_ =	sdelay $0x1  }
0xb2: {  	s11 =	simm.s32 $0xD200  }
0xb3: {  	[tilespmem:s11], [sflag:$0x2] =	stream.indirect_vreg.gather [hbm4b:s3+s6], $0x80, v4, vm0, $0xb8;
	[tilespmem:$0x18200] =	vst v63  }
0xb4: {  	s29 =	simm.s32 $0xDA00  }
0xb5: {  	[tilespmem:s29], [sflag:$0x2] =	stream.indirect_vreg.gather [hbm4b:s3+s6], $0x80, v3, vm0, $0xb8;
	[tilespmem:$0x18200] =	vst v63  }
0xb6: {  	v3 =	vld [tilespmem:$0xE0];
	_ =	sdelay $0x4  }
0xb7: {  	v46 =	vshll.u32 v3, $0x1  }
0xb8: {  	v3 =	vand.u32 $0x7, v3;
	v4 =	vand.u32 $0xFFFFFFF0, v46  }
0xb9: {  	v3 =	vor.u32 v3, v4  }
0xba: {  	v4 =	vperm.xlane v3, v0;
	_ =	sdelay $0x1  }
0xbb: {  	v3 =	vperm.xlane v3, v2;
	v4 =	vadd.s32 v1, v4;
	_ =	sdelay $0x1  }
0xbc: {  	v3 =	vadd.s32 v1, v3;
	_ =	sdelay $0x1  }
0xbd: {  	s11 =	simm.s32 $0xE200  }
0xbe: {  	[tilespmem:s11], [sflag:$0x2] =	stream.indirect_vreg.gather [hbm4b:s3+s6], $0x80, v4, vm0, $0xb8;
	[tilespmem:$0x18200] =	vst v63  }
0xbf: {  	s29 =	simm.s32 $0xEA00  }
0xc0: {  	[tilespmem:s29], [sflag:$0x2] =	stream.indirect_vreg.gather [hbm4b:s3+s6], $0x80, v3, vm0, $0xb8;
	[tilespmem:$0x18200] =	vst v63  }
0xc1: {  	v3 =	vld [tilespmem:$0xF0];
	_ =	sdelay $0x4  }
0xc2: {  	v47 =	vshll.u32 v3, $0x1  }
0xc3: {  	v3 =	vand.u32 $0x7, v3;
	v4 =	vand.u32 $0xFFFFFFF0, v47  }
0xc4: {  	v3 =	vor.u32 v3, v4  }
0xc5: {  	v4 =	vperm.xlane v3, v0;
	_ =	sdelay $0x1  }
0xc6: {  	v3 =	vperm.xlane v3, v2;
	v4 =	vadd.s32 v1, v4;
	_ =	sdelay $0x1  }
0xc7: {  	v3 =	vadd.s32 v1, v3;
	_ =	sdelay $0x1  }
0xc8: {  	s11 =	simm.s32 $0xF200  }
0xc9: {  	[tilespmem:s11], [sflag:$0x2] =	stream.indirect_vreg.gather [hbm4b:s3+s6], $0x80, v4, vm0, $0xb8;
	[tilespmem:$0x18200] =	vst v63  }
0xca: {  	s0 =	simm.s32 $0x1;
	s29 =	simm.s32 $0xFA00  }
0xcb: {  	[tilespmem:s29], [sflag:$0x2] =	stream.indirect_vreg.gather [hbm4b:s3+s6], $0x80, v3, vm0, $0xb8;
	[tilespmem:$0x18200] =	vst v63  }
0xcc: {  	_ =	swait.ge [sflag:s0], $0x8000  }
0xcd: {  	[sflag:s0] =	ssyncset.done $0x0  }
0xce: {  	s11 =	simm.s32 $0x200;
	s29 =	rddreg [dreg:$0x9];
	[sflag:s0] =	ssyncadd.s32 $0xFFFF8000  }
0xcf: {  	[hbm4b:s29+s6] =	stream.linear.scatter [tilespmem:s11], [sflag:$0x5], $0x8000, $0x38;
	[tilespmem:$0x18200] =	vst v63  }
0xd0: {  	_ =	swait.ge [sflag:s24], $0x8000  }
0xd1: {  	[sflag:s24] =	ssyncset.done $0x0  }
0xd2: {  	[sflag:s24] =	ssyncadd.s32 $0xFFFF8000  }
0xd3: {  	v3 =	vld [tilespmem:$0x100];
	_ =	sdelay $0x4  }
0xd4: {  	v48 =	vshll.u32 v3, $0x1  }
0xd5: {  	v3 =	vand.u32 $0x7, v3;
	v4 =	vand.u32 $0xFFFFFFF0, v48  }
0xd6: {  	v3 =	vor.u32 v3, v4  }
0xd7: {  	v4 =	vperm.xlane v3, v0;
	_ =	sdelay $0x1  }
0xd8: {  	v3 =	vperm.xlane v3, v2;
	v4 =	vadd.s32 v1, v4;
	_ =	sdelay $0x1  }
0xd9: {  	v3 =	vadd.s32 v1, v3;
	_ =	sdelay $0x2  }
0xda: {  	[tilespmem:s11], [sflag:$0x1] =	stream.indirect_vreg.gather [hbm4b:s4+s6], $0x80, v4, vm0, $0xb8;
	[tilespmem:$0x18200] =	vst v63  }
0xdb: {  	_ = 	snop  }
0xdc: {  	[tilespmem:s31], [sflag:$0x1] =	stream.indirect_vreg.gather [hbm4b:s4+s6], $0x80, v3, vm0, $0xb8;
	[tilespmem:$0x18200] =	vst v63  }
0xdd: {  	v3 =	vld [tilespmem:$0x110];
	_ =	sdelay $0x4  }
0xde: {  	v49 =	vshll.u32 v3, $0x1  }
0xdf: {  	v3 =	vand.u32 $0x7, v3;
	v4 =	vand.u32 $0xFFFFFFF0, v49  }
0xe0: {  	v3 =	vor.u32 v3, v4  }
0xe1: {  	v4 =	vperm.xlane v3, v0;
	_ =	sdelay $0x1  }
0xe2: {  	v3 =	vperm.xlane v3, v2;
	v4 =	vadd.s32 v1, v4;
	_ =	sdelay $0x1  }
0xe3: {  	v3 =	vadd.s32 v1, v3;
	_ =	sdelay $0x2  }
0xe4: {  	[tilespmem:s1], [sflag:$0x1] =	stream.indirect_vreg.gather [hbm4b:s4+s6], $0x80, v4, vm0, $0xb8;
	[tilespmem:$0x18200] =	vst v63  }
0xe5: {  	_ = 	snop  }
0xe6: {  	[tilespmem:s5], [sflag:$0x1] =	stream.indirect_vreg.gather [hbm4b:s4+s6], $0x80, v3, vm0, $0xb8;
	[tilespmem:$0x18200] =	vst v63  }
0xe7: {  	v3 =	vld [tilespmem:$0x120];
	_ =	sdelay $0x4  }
0xe8: {  	v50 =	vshll.u32 v3, $0x1  }
0xe9: {  	v3 =	vand.u32 $0x7, v3;
	v4 =	vand.u32 $0xFFFFFFF0, v50  }
0xea: {  	v3 =	vor.u32 v3, v4  }
0xeb: {  	v4 =	vperm.xlane v3, v0;
	_ =	sdelay $0x1  }
0xec: {  	v3 =	vperm.xlane v3, v2;
	v4 =	vadd.s32 v1, v4;
	_ =	sdelay $0x1  }
0xed: {  	v3 =	vadd.s32 v1, v3;
	_ =	sdelay $0x2  }
0xee: {  	[tilespmem:s9], [sflag:$0x1] =	stream.indirect_vreg.gather [hbm4b:s4+s6], $0x80, v4, vm0, $0xb8;
	[tilespmem:$0x18200] =	vst v63  }
0xef: {  	_ = 	snop  }
0xf0: {  	[tilespmem:s2], [sflag:$0x1] =	stream.indirect_vreg.gather [hbm4b:s4+s6], $0x80, v3, vm0, $0xb8;
	[tilespmem:$0x18200] =	vst v63  }
0xf1: {  	v3 =	vld [tilespmem:$0x130];
	_ =	sdelay $0x4  }
0xf2: {  	v51 =	vshll.u32 v3, $0x1  }
0xf3: {  	v3 =	vand.u32 $0x7, v3;
	v4 =	vand.u32 $0xFFFFFFF0, v51  }
0xf4: {  	v3 =	vor.u32 v3, v4  }
0xf5: {  	v4 =	vperm.xlane v3, v0;
	_ =	sdelay $0x1  }
0xf6: {  	v3 =	vperm.xlane v3, v2;
	v4 =	vadd.s32 v1, v4;
	_ =	sdelay $0x1  }
0xf7: {  	v3 =	vadd.s32 v1, v3;
	_ =	sdelay $0x2  }
0xf8: {  	[tilespmem:s7], [sflag:$0x1] =	stream.indirect_vreg.gather [hbm4b:s4+s6], $0x80, v4, vm0, $0xb8;
	[tilespmem:$0x18200] =	vst v63  }
0xf9: {  	_ = 	snop  }
0xfa: {  	[tilespmem:s14], [sflag:$0x1] =	stream.indirect_vreg.gather [hbm4b:s4+s6], $0x80, v3, vm0, $0xb8;
	[tilespmem:$0x18200] =	vst v63  }
0xfb: {  	v3 =	vld [tilespmem:$0x140];
	_ =	sdelay $0x4  }
0xfc: {  	v52 =	vshll.u32 v3, $0x1  }
0xfd: {  	v3 =	vand.u32 $0x7, v3;
	v4 =	vand.u32 $0xFFFFFFF0, v52  }
0xfe: {  	v3 =	vor.u32 v3, v4  }
0xff: {  	v4 =	vperm.xlane v3, v0;
	_ =	sdelay $0x1  }
0x100: {  	v3 =	vperm.xlane v3, v2;
	v4 =	vadd.s32 v1, v4;
	_ =	sdelay $0x1  }
0x101: {  	v3 =	vadd.s32 v1, v3;
	_ =	sdelay $0x2  }
0x102: {  	[tilespmem:s15], [sflag:$0x1] =	stream.indirect_vreg.gather [hbm4b:s4+s6], $0x80, v4, vm0, $0xb8;
	[tilespmem:$0x18200] =	vst v63  }
0x103: {  	_ = 	snop  }
0x104: {  	[tilespmem:s16], [sflag:$0x1] =	stream.indirect_vreg.gather [hbm4b:s4+s6], $0x80, v3, vm0, $0xb8;
	[tilespmem:$0x18200] =	vst v63  }
0x105: {  	v3 =	vld [tilespmem:$0x150];
	_ =	sdelay $0x4  }
0x106: {  	v53 =	vshll.u32 v3, $0x1  }
0x107: {  	v3 =	vand.u32 $0x7, v3;
	v4 =	vand.u32 $0xFFFFFFF0, v53  }
0x108: {  	v3 =	vor.u32 v3, v4  }
0x109: {  	v4 =	vperm.xlane v3, v0;
	_ =	sdelay $0x1  }
0x10a: {  	v3 =	vperm.xlane v3, v2;
	v4 =	vadd.s32 v1, v4;
	_ =	sdelay $0x1  }
0x10b: {  	v3 =	vadd.s32 v1, v3;
	_ =	sdelay $0x2  }
0x10c: {  	[tilespmem:s17], [sflag:$0x1] =	stream.indirect_vreg.gather [hbm4b:s4+s6], $0x80, v4, vm0, $0xb8;
	[tilespmem:$0x18200] =	vst v63  }
0x10d: {  	_ = 	snop  }
0x10e: {  	[tilespmem:s18], [sflag:$0x1] =	stream.indirect_vreg.gather [hbm4b:s4+s6], $0x80, v3, vm0, $0xb8;
	[tilespmem:$0x18200] =	vst v63  }
0x10f: {  	v3 =	vld [tilespmem:$0x160];
	_ =	sdelay $0x4  }
0x110: {  	v54 =	vshll.u32 v3, $0x1  }
0x111: {  	v3 =	vand.u32 $0x7, v3;
	v4 =	vand.u32 $0xFFFFFFF0, v54  }
0x112: {  	v3 =	vor.u32 v3, v4  }
0x113: {  	v4 =	vperm.xlane v3, v0;
	_ =	sdelay $0x1  }
0x114: {  	v3 =	vperm.xlane v3, v2;
	v4 =	vadd.s32 v1, v4;
	_ =	sdelay $0x1  }
0x115: {  	v3 =	vadd.s32 v1, v3;
	_ =	sdelay $0x2  }
0x116: {  	[tilespmem:s19], [sflag:$0x1] =	stream.indirect_vreg.gather [hbm4b:s4+s6], $0x80, v4, vm0, $0xb8;
	[tilespmem:$0x18200] =	vst v63  }
0x117: {  	_ = 	snop  }
0x118: {  	[tilespmem:s20], [sflag:$0x1] =	stream.indirect_vreg.gather [hbm4b:s4+s6], $0x80, v3, vm0, $0xb8;
	[tilespmem:$0x18200] =	vst v63  }
0x119: {  	v3 =	vld [tilespmem:$0x170];
	_ =	sdelay $0x4  }
0x11a: {  	v55 =	vshll.u32 v3, $0x1  }
0x11b: {  	v3 =	vand.u32 $0x7, v3;
	v4 =	vand.u32 $0xFFFFFFF0, v55  }
0x11c: {  	v3 =	vor.u32 v3, v4  }
0x11d: {  	v4 =	vperm.xlane v3, v0;
	_ =	sdelay $0x1  }
0x11e: {  	v3 =	vperm.xlane v3, v2;
	v4 =	vadd.s32 v1, v4;
	_ =	sdelay $0x1  }
0x11f: {  	v3 =	vadd.s32 v1, v3;
	_ =	sdelay $0x2  }
0x120: {  	[tilespmem:s21], [sflag:$0x1] =	stream.indirect_vreg.gather [hbm4b:s4+s6], $0x80, v4, vm0, $0xb8;
	[tilespmem:$0x18200] =	vst v63  }
0x121: {  	s1 =	simm.s32 $0x2  }
0x122: {  	[tilespmem:s22], [sflag:$0x1] =	stream.indirect_vreg.gather [hbm4b:s4+s6], $0x80, v3, vm0, $0xb8;
	[tilespmem:$0x18200] =	vst v63  }
0x123: {  	_ =	swait.ge [sflag:s1], $0x8000  }
0x124: {  	[sflag:s1] =	ssyncset.done $0x0  }
0x125: {  	s2 =	rddreg [dreg:$0xa];
	[sflag:s1] =	ssyncadd.s32 $0xFFFF8000  }
0x126: {  	[hbm4b:s2+s6] =	stream.linear.scatter [tilespmem:s26], [sflag:$0x5], $0x8000, $0x38;
	[tilespmem:$0x18200] =	vst v63  }
0x127: {  	_ =	swait.ge [sflag:s24], $0x8000  }
0x128: {  	[sflag:s24] =	ssyncset.done $0x0  }
0x129: {  	[sflag:s24] =	ssyncadd.s32 $0xFFFF8000  }
0x12a: {  	v3 =	vld [tilespmem:$0x180];
	_ =	sdelay $0x4  }
0x12b: {  	v56 =	vshll.u32 v3, $0x1  }
0x12c: {  	v3 =	vand.u32 $0x7, v3;
	v4 =	vand.u32 $0xFFFFFFF0, v56  }
0x12d: {  	v3 =	vor.u32 v3, v4  }
0x12e: {  	v4 =	vperm.xlane v3, v0;
	_ =	sdelay $0x1  }
0x12f: {  	v3 =	vperm.xlane v3, v2;
	v4 =	vadd.s32 v1, v4;
	_ =	sdelay $0x1  }
0x130: {  	v3 =	vadd.s32 v1, v3;
	_ =	sdelay $0x2  }
0x131: {  	[tilespmem:s26], [sflag:$0x2] =	stream.indirect_vreg.gather [hbm4b:s4+s6], $0x80, v4, vm0, $0xb8;
	[tilespmem:$0x18200] =	vst v63  }
0x132: {  	s31 =	simm.s32 $0x8A00  }
0x133: {  	[tilespmem:s31], [sflag:$0x2] =	stream.indirect_vreg.gather [hbm4b:s4+s6], $0x80, v3, vm0, $0xb8;
	[tilespmem:$0x18200] =	vst v63  }
0x134: {  	v3 =	vld [tilespmem:$0x190];
	_ =	sdelay $0x4  }
0x135: {  	v57 =	vshll.u32 v3, $0x1  }
0x136: {  	v3 =	vand.u32 $0x7, v3;
	v4 =	vand.u32 $0xFFFFFFF0, v57  }
0x137: {  	v3 =	vor.u32 v3, v4  }
0x138: {  	v4 =	vperm.xlane v3, v0;
	_ =	sdelay $0x1  }
0x139: {  	v3 =	vperm.xlane v3, v2;
	v4 =	vadd.s32 v1, v4;
	_ =	sdelay $0x1  }
0x13a: {  	v3 =	vadd.s32 v1, v3;
	_ =	sdelay $0x2  }
0x13b: {  	[tilespmem:s28], [sflag:$0x2] =	stream.indirect_vreg.gather [hbm4b:s4+s6], $0x80, v4, vm0, $0xb8;
	[tilespmem:$0x18200] =	vst v63  }
0x13c: {  	s29 =	simm.s32 $0x9A00  }
0x13d: {  	[tilespmem:s29], [sflag:$0x2] =	stream.indirect_vreg.gather [hbm4b:s4+s6], $0x80, v3, vm0, $0xb8;
	[tilespmem:$0x18200] =	vst v63  }
0x13e: {  	v3 =	vld [tilespmem:$0x1A0];
	_ =	sdelay $0x4  }
0x13f: {  	v58 =	vshll.u32 v3, $0x1  }
0x140: {  	v3 =	vand.u32 $0x7, v3;
	v4 =	vand.u32 $0xFFFFFFF0, v58  }
0x141: {  	v3 =	vor.u32 v3, v4  }
0x142: {  	v4 =	vperm.xlane v3, v0;
	_ =	sdelay $0x1  }
0x143: {  	v3 =	vperm.xlane v3, v2;
	v4 =	vadd.s32 v1, v4;
	_ =	sdelay $0x1  }
0x144: {  	v3 =	vadd.s32 v1, v3;
	_ =	sdelay $0x2  }
0x145: {  	[tilespmem:s13], [sflag:$0x2] =	stream.indirect_vreg.gather [hbm4b:s4+s6], $0x80, v4, vm0, $0xb8;
	[tilespmem:$0x18200] =	vst v63  }
0x146: {  	_ = 	snop  }
0x147: {  	[tilespmem:s30], [sflag:$0x2] =	stream.indirect_vreg.gather [hbm4b:s4+s6], $0x80, v3, vm0, $0xb8;
	[tilespmem:$0x18200] =	vst v63  }
0x148: {  	v3 =	vld [tilespmem:$0x1B0];
	_ =	sdelay $0x4  }
0x149: {  	v59 =	vshll.u32 v3, $0x1  }
0x14a: {  	v3 =	vand.u32 $0x7, v3;
	v4 =	vand.u32 $0xFFFFFFF0, v59  }
0x14b: {  	v3 =	vor.u32 v3, v4  }
0x14c: {  	v4 =	vperm.xlane v3, v0;
	_ =	sdelay $0x1  }
0x14d: {  	v3 =	vperm.xlane v3, v2;
	v4 =	vadd.s32 v1, v4;
	_ =	sdelay $0x1  }
0x14e: {  	v3 =	vadd.s32 v1, v3;
	_ =	sdelay $0x2  }
0x14f: {  	[tilespmem:s25], [sflag:$0x2] =	stream.indirect_vreg.gather [hbm4b:s4+s6], $0x80, v4, vm0, $0xb8;
	[tilespmem:$0x18200] =	vst v63  }
0x150: {  	s31 =	simm.s32 $0xBA00  }
0x151: {  	[tilespmem:s31], [sflag:$0x2] =	stream.indirect_vreg.gather [hbm4b:s4+s6], $0x80, v3, vm0, $0xb8;
	[tilespmem:$0x18200] =	vst v63  }
0x152: {  	v3 =	vld [tilespmem:$0x1C0];
	_ =	sdelay $0x4  }
0x153: {  	v60 =	vshll.u32 v3, $0x1  }
0x154: {  	v3 =	vand.u32 $0x7, v3;
	v4 =	vand.u32 $0xFFFFFFF0, v60  }
0x155: {  	v3 =	vor.u32 v3, v4  }
0x156: {  	v4 =	vperm.xlane v3, v0;
	_ =	sdelay $0x1  }
0x157: {  	v3 =	vperm.xlane v3, v2;
	v4 =	vadd.s32 v1, v4;
	_ =	sdelay $0x1  }
0x158: {  	v3 =	vadd.s32 v1, v3;
	_ =	sdelay $0x1  }
0x159: {  	s29 =	simm.s32 $0xC200  }
0x15a: {  	[tilespmem:s29], [sflag:$0x2] =	stream.indirect_vreg.gather [hbm4b:s4+s6], $0x80, v4, vm0, $0xb8;
	[tilespmem:$0x18200] =	vst v63  }
0x15b: {  	s31 =	simm.s32 $0xCA00  }
0x15c: {  	[tilespmem:s31], [sflag:$0x2] =	stream.indirect_vreg.gather [hbm4b:s4+s6], $0x80, v3, vm0, $0xb8;
	[tilespmem:$0x18200] =	vst v63  }
0x15d: {  	v3 =	vld [tilespmem:$0x1D0];
	_ =	sdelay $0x4  }
0x15e: {  	v61 =	vshll.u32 v3, $0x1  }
0x15f: {  	v3 =	vand.u32 $0x7, v3;
	v4 =	vand.u32 $0xFFFFFFF0, v61  }
0x160: {  	v3 =	vor.u32 v3, v4  }
0x161: {  	v4 =	vperm.xlane v3, v0;
	_ =	sdelay $0x1  }
0x162: {  	v3 =	vperm.xlane v3, v2;
	v4 =	vadd.s32 v1, v4;
	_ =	sdelay $0x1  }
0x163: {  	v3 =	vadd.s32 v1, v3;
	_ =	sdelay $0x1  }
0x164: {  	s29 =	simm.s32 $0xD200  }
0x165: {  	[tilespmem:s29], [sflag:$0x2] =	stream.indirect_vreg.gather [hbm4b:s4+s6], $0x80, v4, vm0, $0xb8;
	[tilespmem:$0x18200] =	vst v63  }
0x166: {  	s31 =	simm.s32 $0xDA00  }
0x167: {  	[tilespmem:s31], [sflag:$0x2] =	stream.indirect_vreg.gather [hbm4b:s4+s6], $0x80, v3, vm0, $0xb8;
	[tilespmem:$0x18200] =	vst v63  }
0x168: {  	v3 =	vld [tilespmem:$0x1E0];
	_ =	sdelay $0x4  }
0x169: {  	v62 =	vshll.u32 v3, $0x1  }
0x16a: {  	v3 =	vand.u32 $0x7, v3;
	v4 =	vand.u32 $0xFFFFFFF0, v62  }
0x16b: {  	v3 =	vor.u32 v3, v4  }
0x16c: {  	v4 =	vperm.xlane v3, v0;
	_ =	sdelay $0x1  }
0x16d: {  	v3 =	vperm.xlane v3, v2;
	v4 =	vadd.s32 v1, v4;
	_ =	sdelay $0x1  }
0x16e: {  	v3 =	vadd.s32 v1, v3;
	_ =	sdelay $0x1  }
0x16f: {  	s29 =	simm.s32 $0xE200  }
0x170: {  	[tilespmem:s29], [sflag:$0x2] =	stream.indirect_vreg.gather [hbm4b:s4+s6], $0x80, v4, vm0, $0xb8;
	[tilespmem:$0x18200] =	vst v63  }
0x171: {  	s31 =	simm.s32 $0xEA00  }
0x172: {  	[tilespmem:s31], [sflag:$0x2] =	stream.indirect_vreg.gather [hbm4b:s4+s6], $0x80, v3, vm0, $0xb8;
	[tilespmem:$0x18200] =	vst v63  }
0x173: {  	v3 =	vld [tilespmem:$0x1F0];
	_ =	sdelay $0x4  }
0x174: {  	v63 =	vshll.u32 v3, $0x1  }
0x175: {  	v3 =	vand.u32 $0x7, v3;
	v4 =	vand.u32 $0xFFFFFFF0, v63  }
0x176: {  	v3 =	vor.u32 v3, v4  }
0x177: {  	v4 =	vperm.xlane v3, v0;
	_ =	sdelay $0x1  }
0x178: {  	v3 =	vperm.xlane v3, v2;
	v4 =	vadd.s32 v1, v4;
	_ =	sdelay $0x1  }
0x179: {  	v3 =	vadd.s32 v1, v3;
	_ =	sdelay $0x1  }
0x17a: {  	s29 =	simm.s32 $0xF200  }
0x17b: {  	[tilespmem:s29], [sflag:$0x2] =	stream.indirect_vreg.gather [hbm4b:s4+s6], $0x80, v4, vm0, $0xb8;
	[tilespmem:$0x18200] =	vst v63  }
0x17c: {  	s31 =	simm.s32 $0xFA00  }
0x17d: {  	[tilespmem:s31], [sflag:$0x2] =	stream.indirect_vreg.gather [hbm4b:s4+s6], $0x80, v3, vm0, $0xb8;
	[tilespmem:$0x18200] =	vst v63  }
0x17e: {  	_ =	swait.ge [sflag:s0], $0x8000  }
0x17f: {  	[sflag:s0] =	ssyncset.done $0x0  }
0x180: {  	s11 =	simm.s32 $0x200;
	s2 =	rddreg [dreg:$0xb];
	[sflag:s0] =	ssyncadd.s32 $0xFFFF8000  }
0x181: {  	[hbm4b:s2+s6] =	stream.linear.scatter [tilespmem:s11], [sflag:$0x5], $0x8000, $0x38;
	[tilespmem:$0x18200] =	vst v63  }
0x182: {  	_ =	swait.ge [sflag:s24], $0x8000  }
0x183: {  	[sflag:s24] =	ssyncset.done $0x0  }
0x184: {  	[sflag:s24] =	ssyncadd.s32 $0xFFFF8000  }
0x185: {  	s0 =	simm.s32 $0x10200;
	s11 =	rddreg [dreg:$0x1]  }
0x186: {  	[tilespmem:s0], [sflag:$0x3] =	stream.indirect.gather [hbm4b:s11+s23], $0x80, s6, s23, $0xb8;
	[tilespmem:$0x18200] =	vst v63  }
0x187: {  	_ =	swait.ge [sflag:s1], $0x8000  }
0x188: {  	[sflag:s1] =	ssyncset.done $0x0  }
0x189: {  	s2 =	rddreg [dreg:$0xc];
	[sflag:s1] =	ssyncadd.s32 $0xFFFF8000  }
0x18a: {  	[hbm4b:s2+s6] =	stream.linear.scatter [tilespmem:s26], [sflag:$0x5], $0x8000, $0x38;
	[tilespmem:$0x18200] =	vst v63  }
0x18b: {  	_ =	swait.ge [sflag:s24], $0x8000  }
0x18c: {  	[sflag:s24] =	ssyncset.done $0x0  }
0x18d: {  	s1 =	simm.s32 $0x14200;
	[sflag:s24] =	ssyncadd.s32 $0xFFFF8000  }
0x18e: {  	[tilespmem:s1], [sflag:$0x4] =	stream.indirect.gather [hbm4b:s11+s23], $0x80, s23, s23, $0xb8;
	[tilespmem:$0x18200] =	vst v63  }
0x18f: {  	_ =	swait.ge [sflag:s10], $0x4000  }
0x190: {  	[sflag:s10] =	ssyncset.done $0x0  }
0x191: {  	s11 =	rddreg [dreg:$0xd];
	[sflag:s10] =	ssyncadd.s32 $0xFFFFC000  }
0x192: {  	[hbm4b:s11+s6] =	stream.linear.scatter [tilespmem:s0], [sflag:$0x5], $0x4000, $0x38;
	[tilespmem:$0x18200] =	vst v63  }
0x193: {  	_ =	swait.ge [sflag:s24], $0x4000  }
0x194: {  	[sflag:s24] =	ssyncset.done $0x0  }
0x195: {  	[sflag:s24] =	ssyncadd.s32 $0xFFFFC000  }
0x196: {  	s29 =	simm.s32 $0x100;
	s31 =	rddreg [dreg:$0x2]  }
0x197: {  	[tilespmem:s0], [sflag:$0x3] =	stream.indirect.gather [hbm4b:s31+s23], $0x80, s29, s23, $0xb8;
	[tilespmem:$0x18200] =	vst v63  }
0x198: {  	_ =	swait.ge [sflag:s12], $0x4000  }
0x199: {  	[sflag:s12] =	ssyncset.done $0x0  }
0x19a: {  	s11 =	rddreg [dreg:$0xe];
	[sflag:s12] =	ssyncadd.s32 $0xFFFFC000  }
0x19b: {  	[hbm4b:s11+s6] =	stream.linear.scatter [tilespmem:s1], [sflag:$0x5], $0x4000, $0x38;
	[tilespmem:$0x18200] =	vst v63  }
0x19c: {  	_ =	swait.ge [sflag:s24], $0x4000  }
0x19d: {  	[sflag:s24] =	ssyncset.done $0x0  }
0x19e: {  	s2 =	rddreg [dreg:$0x11];
	[sflag:s24] =	ssyncadd.s32 $0xFFFFC000  }
0x19f: {  	[tilespmem:s1], [sflag:$0x4] =	stream.indirect.gather [hbm4b:s31+s23], $0x80, s2, s23, $0xb8;
	[tilespmem:$0x18200] =	vst v63  }
0x1a0: {  	_ =	swait.ge [sflag:s10], $0x4000  }
0x1a1: {  	[sflag:s10] =	ssyncset.done $0x0  }
0x1a2: {  	s11 =	rddreg [dreg:$0xf];
	[sflag:s10] =	ssyncadd.s32 $0xFFFFC000  }
0x1a3: {  	[hbm4b:s11+s6] =	stream.linear.scatter [tilespmem:s0], [sflag:$0x5], $0x4000, $0x38;
	[tilespmem:$0x18200] =	vst v63  }
0x1a4: {  	_ =	swait.ge [sflag:s24], $0x4000  }
0x1a5: {  	[sflag:s24] =	ssyncset.done $0x0  }
0x1a6: {  	[sflag:s24] =	ssyncadd.s32 $0xFFFFC000  }
0x1a7: {  	_ =	swait.ge [sflag:s12], $0x4000  }
0x1a8: {  	p0 =	sne.s32 s8, $0x1;
	[sflag:s12] =	ssyncset.done $0x0  }
.Ltmp0:
0x1a9: {  	s31 =	rddreg [dreg:$0x10];
	[sflag:s12] =	ssyncadd.s32 $0xFFFFC000;
	(pc) =	sbr.rel @p0 .LBB2_1-.Ltmp0, $4  }
0x1aa: {  	[hbm4b:s31+s6] =	stream.linear.scatter [tilespmem:s1], [sflag:$0x5], $0x4000, $0x38;
	[tilespmem:$0x18200] =	vst v63  }
0x1ab: {  	_ =	swait.ge [sflag:s24], $0x4000  }
0x1ac: {  	[sflag:s24] =	ssyncset.done $0x0  }
0x1ad: {  	s8 =	sadd.s32 $0xFFFFFFFF, s8;
	[sflag:s24] =	ssyncadd.s32 $0xFFFFC000  }
0x1ae: {  	_ =	sfence.sel $0x180000  }
0x1af: {  	[bflag:$0x0] =	sbarrier.arrive $0xFFFF  }
0x1b0: {  	_ =	strace $0x90000047  }
0x1b1: {  	s0 =	stileid.u32;
	[bflag:$0x2] =	sbarrier.arrive $0xFFFF  }
0x1b2: {  	p0 =	sne.s32 s0, $0x0;
	s0 =	rddreg [dreg:$0x7]  }
0x1b3: {  	s0 =	sadd.s32 @!p0 $0x100000, s0  }
0x1b4: {  	[sflag:s0] =	ssyncadd.tile.s32 @!p0 $0x1;
	_ =	shalt  }
.Lfunc_end2:
_tile_overlayer_lowered:
.L_overlay_start_2:
0x1b5: {  	(tag) =	ssettag $0x2  }
0x1b6: {  	s0 =	rddreg [dreg:$0x0];
	s2 =	stileid.u32  }
0x1b7: {  	s1 =	rddreg [dreg:$0x1];
	p0 =	sne.s32 s2, $0x0  }
0x1b8: {  	s3 =	rddreg [dreg:$0x2];
	[bflag:$0x3] =	sbarrier.arrive $0xFFFF;
	s2 =	simm.s32 @!p0 $0x1C05  }
0x1b9: {  	[timem:s3], [sflag:s2] =	dma.local @!p0 [hbm:s0], s1  }
0x1ba: {  	s0 =	simm.s32 @!p0 $0x5  }
0x1bb: {  	_ =	swait.ge @!p0 [sflag:s0], s1  }
0x1bc: {  	s1 =	ssub.s32 @!p0 $0x0, s1;
	[sflag:s0] =	ssyncset.done @!p0 $0x0  }
0x1bd: {  	[sflag:s0] =	ssyncadd.s32 @!p0 s1  }
0x1be: {  	[bflag:$0x3] =	sbarrier.arrive $0xFFFF  }
0x1bf: {  	_ =	shalt  }

// kernel: kernel.9.cloned.1.call-start
scs
__scs_entry_jumppad:
0x0: {  	(pc) =	sbr.rel $0x88, $3  }
0x1: {  	(tag) =	ssettag $0x0;
	lr =	simm.s32 $0x1  }
0x2: {  	[smem:$0x3F96] =	sst lr;
	_ =	strace $0xD0000000  }
0x3: {  	_ = 	snop  }
0x4: {  	_ = 	snop  }
0x5: {  	_ = 	snop  }
0x6: {  	_ = 	snop  }
0x7: {  	_ = 	snop  }
__scs_overlays_trampoline_lowered:
0x8: {  	[smem:$0x3FA5] =	sst s0  }
0x9: {  	[smem:$0x3FA6] =	sst s1  }
0xa: {  	[smem:$0x3FA7] =	sst s2  }
0xb: {  	[smem:$0x3FA8] =	sst s3  }
0xc: {  	[smem:$0x3FA9] =	sst s4  }
0xd: {  	[smem:$0x3FAA] =	sst s5  }
0xe: {  	[smem:$0x3FAB] =	sst s6  }
0xf: {  	[smem:$0x3FAC] =	sst s7  }
0x10: {  	[smem:$0x3FAD] =	sst s8  }
0x11: {  	[smem:$0x3FAE] =	sst s9;
	s0 =	simm.s32 @!p0 $0x0  }
0x12: {  	s1 =	sld [smem:$0x3F94];
	s0 =	simm.s32 @p0 $0x1  }
0x13: {  	[smem:$0x3FAF] =	sst s0;
	s0 =	simm.s32 @!p1 $0x0  }
0x14: {  	s2 =	sld [smem:$0x3F93];
	s0 =	simm.s32 @p1 $0x1  }
0x15: {  	[smem:$0x3FB0] =	sst s0;
	s0 =	simm.s32 @!p2 $0x0  }
0x16: {  	s3 =	sld [smem:$0x3FDB];
	s0 =	simm.s32 @p2 $0x1  }
0x17: {  	s4 =	simm.s32 $0x1BF5;
	[smem:$0x3FB2] =	sst s0  }
0x18: {  	s0 =	sld [smem:$0x3F95];
	_ =	swait.ge [sflag:s4], $0x0  }
0x19: {  	s7 =	sld [smem:$0x3F96]  }
0x1a: {  	s8 =	sadd.s32 $0xFFFFE003, lr  }
0x1b: {  	s9 =	sadd.s32 $0xFFFFFEF7, lr;
	s5 =	simm.s32 $0xFFFFFFFF;
	p2 =	slt.u32 s8, $0xFFFFF086  }
0x1c: {  	p1 =	slt.u32 s9, $0xF7A;
	s5 =	simm.s32 @!p2 $0x0  }
0x1d: {  	s5 =	simm.s32 @p1 $0x1;
	p0 =	seq.s32 s7, s2  }
0x1e: {  	s7 =	smul.u32 @!p0 $0xF7A, s2;
	p2 =	seq.s32 @!p0 s5, $0x0  }
0x1f: {  	s9 =	smul.u32 $0xF7A, s1;
	s8 =	simm.s32 @!p0 $0x1BF5;
	p2 =	por !p2, p0  }
0x20: {  	[sflag:s8] =	ssyncset.s32 @!p0 $0xFFFFF086;
	s6 =	sadd.s32 @!p0 s3, s7;
	s7 =	simm.s32 @!p0 $0x108  }
0x21: {  	s3 =	sadd.s32 s3, s9;
	s6 =	sadd.s32 @!p0 $0x88, s6;
	s7 =	simm.s32 @p2 $0x1082  }
0x22: {  	[simem:s7], [sflag:s8] =	dma.local @!p0 [hbm:s6], $0xF7A  }
0x23: {  	s9 =	sor.u32 $0xD0000000, s2;
	s6 =	simm.s32 $0x108;
	_ =	swait.ge @!p0 [sflag:s8], $0x0  }
0x24: {  	s3 =	sadd.s32 $0x88, s3;
	s6 =	simm.s32 @!p1 $0x1082;
	[sflag:s4] =	ssyncset.s32 $0xFFFFF086  }
0x25: {  	[simem:s6], [sflag:s4] =	dma.local [hbm:s3], $0xF7A  }
0x26: {  	[smem:$0x3F96] =	sst s1;
	(tag) =	ssettag s2;
	_ =	strace s9  }
0x27: {  	s1 =	sld [smem:$0x3FA6]  }
0x28: {  	s2 =	sld [smem:$0x3FA7]  }
0x29: {  	s4 =	sld [smem:$0x3FA9]  }
0x2a: {  	p0 =	seq.s32 s5, $0x0;
	s5 =	sld [smem:$0x3FAA]  }
0x2b: {  	s6 =	sld [smem:$0x3FAB]  }
0x2c: {  	s7 =	sld [smem:$0x3FAC]  }
0x2d: {  	s3 =	simm.s32 $0x108;
	s8 =	sld [smem:$0x3FAD]  }
0x2e: {  	s3 =	simm.s32 @!p0 $0x1082;
	s9 =	sld [smem:$0x3FAE]  }
0x2f: {  	lr =	sadd.s32 s0, s3;
	s0 =	sld [smem:$0x3FA5]  }
0x30: {  	s3 =	sld [smem:$0x3FA8]  }
0x31: {  	[smem:$0x3FB1] =	sst s10  }
0x32: {  	s10 =	sld [smem:$0x3FAF];
	_ =	sdelay $0x3  }
0x33: {  	p0 =	seq.s32 s10, $0x1;
	s10 =	sld [smem:$0x3FB1];
	_ =	sdelay $0x3  }
0x34: {  	[smem:$0x3FB1] =	sst s10  }
0x35: {  	s10 =	sld [smem:$0x3FB0];
	_ =	sdelay $0x3  }
0x36: {  	p1 =	seq.s32 s10, $0x1;
	s10 =	sld [smem:$0x3FB1];
	_ =	sdelay $0x3  }
0x37: {  	[smem:$0x3FB1] =	sst s10  }
0x38: {  	s10 =	sld [smem:$0x3FB2]  }
0x39: {  	_ = 	snop;
	(pc) =	sbr.ind lr, $3  }
0x3a: {  	_ = 	snop  }
0x3b: {  	_ = 	snop  }
0x3c: {  	p2 =	seq.s32 s10, $0x1;
	s10 =	sld [smem:$0x3FB1]  }
0x3d: {  	_ =	shalt  }
0x3e: {  	_ =	shalt  }
0x3f: {  	_ =	shalt  }
0x40: {  	_ =	shalt  }
0x41: {  	_ =	shalt  }
0x42: {  	_ =	shalt  }
0x43: {  	_ =	shalt  }
0x44: {  	_ =	shalt  }
0x45: {  	_ =	shalt  }
0x46: {  	_ =	shalt  }
0x47: {  	_ =	shalt  }
0x48: {  	_ =	shalt  }
0x49: {  	_ =	shalt  }
0x4a: {  	_ =	shalt  }
0x4b: {  	_ =	shalt  }
0x4c: {  	_ =	shalt  }
0x4d: {  	_ =	shalt  }
0x4e: {  	_ =	shalt  }
0x4f: {  	_ =	shalt  }
0x50: {  	_ =	shalt  }
0x51: {  	_ =	shalt  }
0x52: {  	_ =	shalt  }
0x53: {  	_ =	shalt  }
0x54: {  	_ =	shalt  }
0x55: {  	_ =	shalt  }
0x56: {  	_ =	shalt  }
0x57: {  	_ =	shalt  }
0x58: {  	_ =	shalt  }
0x59: {  	_ =	shalt  }
0x5a: {  	_ =	shalt  }
0x5b: {  	_ =	shalt  }
0x5c: {  	_ =	shalt  }
0x5d: {  	_ =	shalt  }
0x5e: {  	_ =	shalt  }
0x5f: {  	_ =	shalt  }
0x60: {  	_ =	shalt  }
0x61: {  	_ =	shalt  }
0x62: {  	_ =	shalt  }
0x63: {  	_ =	shalt  }
0x64: {  	_ =	shalt  }
0x65: {  	_ =	shalt  }
0x66: {  	_ =	shalt  }
0x67: {  	_ =	shalt  }
0x68: {  	_ =	shalt  }
0x69: {  	_ =	shalt  }
0x6a: {  	_ =	shalt  }
0x6b: {  	_ =	shalt  }
0x6c: {  	_ =	shalt  }
0x6d: {  	_ =	shalt  }
0x6e: {  	_ =	shalt  }
0x6f: {  	_ =	shalt  }
0x70: {  	_ =	shalt  }
0x71: {  	_ =	shalt  }
0x72: {  	_ =	shalt  }
0x73: {  	_ =	shalt  }
0x74: {  	_ =	shalt  }
0x75: {  	_ =	shalt  }
0x76: {  	_ =	shalt  }
0x77: {  	_ =	shalt  }
0x78: {  	_ =	shalt  }
0x79: {  	_ =	shalt  }
0x7a: {  	_ =	shalt  }
0x7b: {  	_ =	shalt  }
0x7c: {  	_ =	shalt  }
0x7d: {  	_ =	shalt  }
0x7e: {  	_ =	shalt  }
0x7f: {  	_ =	shalt  }
0x80: {  	_ =	shalt  }
0x81: {  	_ =	shalt  }
0x82: {  	_ =	shalt  }
0x83: {  	_ =	shalt  }
0x84: {  	_ =	shalt  }
0x85: {  	_ =	shalt  }
0x86: {  	_ =	shalt  }
0x87: {  	_ =	shalt  }
.Lfunc_end0:
.L_simem_size_0:
called_computation.1_lowered:
.L_overlay_start_0:
0x88: {  	s2 =	sld [smem:$0x3FD9]  }
0x89: {  	s3 =	sld [smem:$0x3FFE];
	_ =	sdelay $0x1  }
0x8a: {  	s1 =	srdreg.scid  }
0x8b: {  	s0 =	sand.u32 $0x1, s1  }
0x8c: {  	s17 =	sshll.u32 s0, $0xA;
	s2 =	sadd.s32 s3, s2  }
0x8d: {  	s2 =	sadd.s32 s2, s17  }
0x8e: {  	[smem:$0x3FBD] =	sst s2  }
0x8f: {  	_ = 	snop  }
0x90: {  	s18 =	sld [smem:$0x3FC9]  }
0x91: {  	s4 =	sld [smem:$0x3FC8]  }
0x92: {  	s5 =	sld [smem:$0x3FC7]  }
0x93: {  	s6 =	sld [smem:$0x3FC6]  }
0x94: {  	s7 =	sld [smem:$0x3FC5];
	(tm) =	ssettm $0x1  }
0x95: {  	s19 =	sld [smem:$0x3FFB];
	_ =	sdelay $0x3  }
0x96: {  	_ =	strace s19  }
0x97: {  	s2 =	sld [smem:$0x3FFC];
	_ =	sdelay $0x3  }
0x98: {  	_ =	strace s2  }
0x99: {  	s2 =	sld [smem:$0x3FFD];
	_ =	sdelay $0x3  }
0x9a: {  	_ =	strace s2  }
0x9b: {  	_ =	strace $0x8FFFFFFF  }
0x9c: {  	s20 =	sld [smem:$0x3FDB];
	_ =	sdelay $0x1  }
0x9d: {  	s8 =	simm.s32 $_scs_section_size  }
0x9e: {  	s9 =	simm.s32 $_size__tile_overlayer_lowered;
	s10 =	simm.s32 $_tile_overlayer_lowered  }
0x9f: {  	s11 =	simm.s32 $0x1BFF;
	s21 =	sshll.u32 s10, $0x1;
	s8 =	sadd.s32 s8, s20  }
0xa0: {  	s22 =	simm.s32 $0x0;
	s9 =	sshll.u32 s9, $0x1;
	s10 =	sadd.s32 s21, s8  }
0xa1: {  	[timem:s22], [sflag:s11] =	dma.local [hbm:s10], s9  }
0xa2: {  	_ =	swait.ge [sflag:s11], s9  }
0xa3: {  	s9 =	ssub.s32 $0x0, s9;
	[sflag:s11] =	ssyncset.done $0x0  }
0xa4: {  	[sflag:s11] =	ssyncadd.s32 s9;
	_ =	sdelay $0x1  }
0xa5: {  	s23 =	simm.s32 $0x1B8B  }
0xa6: {  	_ =	swait.ge [sflag:s23], $0x1  }
0xa7: {  	[sflag:s23] =	ssyncset.done $0x0  }
0xa8: {  	[sflag:s23] =	ssyncadd.s32 $0xFFFFFFFF  }
0xa9: {  	s9 =	sld [smem:$0x0]  }
0xaa: {  	s10 =	sand.u32 $0xFFFFFFFE, s1  }
0xab: {  	p0 =	sne.s32 s1, s10  }
0xac: {  	s10 =	sshll.u32 @p0 s10, $0xE  }
0xad: {  	s10 =	sadd.s32 @p0 $0x11B8D, s10;
	s11 =	sshll.u32 @p0 s9, $0x11  }
0xae: {  	s10 =	sor.u32 @p0 s11, s10  }
0xaf: {  	[sflag:s10] =	ssyncadd.remote.s32 @p0 $0x1;
	_ =	sdelay $0x1  }
0xb0: {  	s10 =	simm.s32 @p0 $0x1B8D  }
0xb1: {  	_ =	swait.eq @p0 [sflag:s10], $0x1  }
0xb2: {  	[sflag:s10] =	ssyncadd.s32 @p0 $0xFFFFFFFF  }
0xb3: {  	s11 =	sshll.u32 @!p0 s1, $0xE  }
0xb4: {  	s11 =	sor.u32 @!p0 $0x4000, s11;
	s10 =	simm.s32 @!p0 $0x1B8D  }
0xb5: {  	s9 =	sshll.u32 @!p0 s9, $0x11;
	s11 =	sadd.s32 @!p0 $0x11B8D, s11;
	_ =	swait.eq @!p0 [sflag:s10], $0x1  }
0xb6: {  	s9 =	sor.u32 @!p0 s9, s11;
	[sflag:s10] =	ssyncadd.s32 @!p0 $0xFFFFFFFF  }
0xb7: {  	s25 =	simm.s32 $0x1B8E;
	s24 =	sld [smem:$0x3FFE];
	[sflag:s9] =	ssyncadd.remote.s32 @!p0 $0x1  }
0xb8: {  	s26 =	simm.s32 $execute0_lowered;
	[smem:$0x3FD2] =	sst s25  }
0xb9: {  	s10 =	sshll.u32 s26, $0x1;
	_ =	strace $0x80000049;
	[dreg:$0x1] =	wrdreg $0xFFFFFFFF  }
0xba: {  	s28 =	simm.s32 $_size_execute0_lowered;
	s8 =	sadd.s32 s8, s10;
	[dreg:$0x0] =	wrdreg $0x0  }
0xbb: {  	s10 =	sshll.u32 s28, $0x1;
	[dreg:$0x2] =	wrdreg s8  }
0xbc: {  	[dreg:$0x3] =	wrdreg s10  }
0xbd: {  	[dreg:$0x4] =	wrdreg $0xC0  }
0xbe: {  	_ =	task [dreg:s22], $0x5FFFF  }
0xbf: {  	[dreg:$0x1] =	wrdreg $0xFFFFFFFF  }
0xc0: {  	[dreg:$0x0] =	wrdreg $0x60  }
0xc1: {  	[dreg:$0x2] =	wrdreg s18  }
0xc2: {  	[dreg:$0x3] =	wrdreg s4  }
0xc3: {  	[dreg:$0x4] =	wrdreg s5  }
0xc4: {  	[dreg:$0x5] =	wrdreg s6  }
0xc5: {  	[dreg:$0x6] =	wrdreg s7  }
0xc6: {  	[dreg:$0x7] =	wrdreg s24  }
0xc7: {  	[dreg:$0x8] =	wrdreg $0xA  }
0xc8: {  	_ =	task.clear_ibuf [dreg:s22], $0x9FFFF;
	_ =	strace $0x90000049  }
0xc9: {  	s29 =	simm.s32 $0xA;
	_ =	strace $0x8000004B  }
0xca: {  	_ =	swait.ge [sflag:s29], $0x1  }
0xcb: {  	[sflag:s29] =	ssyncadd.s32 $0xFFFFFFFF  }
0xcc: {  	_ =	strace $0x9000004B  }
0xcd: {  	_ =	sfence  }
0xce: {  	s30 =	sld [smem:$0x0];
	_ =	sdelay $0x2  }
0xcf: {  	s31 =	sshll.u32 s1, $0xD;
	s1 =	sshrl.u32 s1, $0x2  }
0xd0: {  	s4 =	sand.u32 $0x4000, s31;
	s1 =	sadd.s32 s1, s30  }
0xd1: {  	s0 =	sor.u32 s4, s0;
	s1 =	sshll.u32 s1, $0x11  }
0xd2: {  	s0 =	sor.u32 s1, s0  }
0xd3: {  	s0 =	sadd.s32 $0x8F2B, s0  }
0xd4: {  	[sflag:s0] =	ssyncadd.remote.s32 $0x1  }
0xd5: {  	_ =	sfence.sel $0xFFFF  }
0xd6: {  	[dreg:$0x0] =	wrdreg $0xFFFFFFFF;
	(pc) =	sbr.abs _section_cstart, $3  }
0xd7: {  	[dreg:$0x1] =	wrdreg $0xFFFFFFFF  }
0xd8: {  	_ =	task.clear_ibuf [dreg:s22], $0x2FFFF;
	_ =	strace $0x9FFFFFFF  }
0xd9: {  	(tm) =	ssettm $0x7FFFFFFF  }
tec
execute0_lowered:
.L_overlay_start_1:
0x0: {  	(tag) =	ssettag $0x1  }
0x1: {  	s0 =	rddreg [dreg:$0x0]  }
0x2: {  	s3 =	rddreg [dreg:$0x3]  }
0x3: {  	s1 =	srdreg.scid;
	s5 =	rddreg [dreg:$0x4]  }
0x4: {  	s2 =	stileid.u32;
	s7 =	rddreg [dreg:$0x5]  }
0x5: {  	s6 =	simm.s32 $0x0;
	s30 =	simm.s32 $0x180;
	s31 =	simm.s32 $0x1200  }
0x6: {  	s13 =	simm.s32 $0x3A00;
	s14 =	simm.s32 $0x4200;
	s29 =	simm.s32 $0xB200  }
0x7: {  	s1 =	sand.u32 $0x1, s1;
	s2 =	sshll.u32 s2, $0x9;
	[smem:$0x7FF] =	sst s6  }
0x8: {  	s15 =	sadd.s32 $0x82A00, s7;
	s9 =	sadd.s32 $0x102A00, s7;
	s12 =	sadd.s32 $0xC2A00, s7  }
0x9: {  	s19 =	sadd.s32 $0xE2A00, s7;
	s4 =	sshll.u32 s1, $0x8;
	_ =	strace $0x8000004A  }
0xa: {  	s1 =	ssub.s32 $0x2, s1;
	[dreg:$0x11] =	wrdreg s30;
	s2 =	sor.u32 s4, s2  }
0xb: {  	s25 =	sshrl.u32 s1, $0x1;
	s4 =	sshrl.u32 s2, $0x2;
	s16 =	sshrl.u32 s2, $0x3  }
0xc: {  	s10 =	sshll.u32 s2, $0x5;
	s2 =	sshll.u32 s2, $0x4;
	s1 =	ssub.s32 s1, s25  }
0xd: {  	s25 =	simm.s32 $0x8200;
	s0 =	sadd.s32 s4, s0;
	s17 =	sadd.s32 s15, s10  }
0xe: {  	s20 =	sadd.s32 s9, s10;
	s22 =	sadd.s32 s12, s2;
	[dreg:$0x9] =	wrdreg s17  }
0xf: {  	s26 =	sadd.s32 s19, s2;
	s7 =	smax.u32 s1, $0x1;
	[dreg:$0xb] =	wrdreg s20  }
0x10: {  	s4 =	simm.s32 $0x1A00;
	s8 =	sadd.s32 $0x800, s0;
	[dreg:$0xd] =	wrdreg s22  }
0x11: {  	s0 =	sadd.s32 $0x810, s0;
	[dreg:$0xf] =	wrdreg s26;
	s22 =	simm.s32 $0x80  }
0x12: {  	s17 =	simm.s32 $0x5A00;
	s20 =	simm.s32 $0x7200;
	[dreg:$0x7] =	wrdreg s8  }
0x13: {  	s26 =	simm.s32 $0x9200;
	s8 =	sor.u32 $0x10, s16;
	[dreg:$0x8] =	wrdreg s0  }
0x14: {  	s16 =	simm.s32 $0x5200;
	s11 =	sshll.u32 s8, $0x8;
	s23 =	sshll.u32 s8, $0x7  }
0x15: {  	s8 =	simm.s32 $0x2200;
	s18 =	sadd.s32 s15, s11;
	s21 =	sadd.s32 s9, s11  }
0x16: {  	s24 =	sadd.s32 s12, s23;
	s28 =	sadd.s32 s19, s23;
	[dreg:$0xa] =	wrdreg s18  }
0x17: {  	s9 =	simm.s32 $0x3;
	s11 =	simm.s32 $0x4;
	[dreg:$0xc] =	wrdreg s21  }
0x18: {  	v2 =	vlaneseq.u32;
	s23 =	simm.s32 $0x5;
	s15 =	simm.s32 $0x4A00;
	[dreg:$0xe] =	wrdreg s24  }
0x19: {  	vm0 =	vmmov $0xffff;
	v1 =	vshrl.u32 v2, $0x3;
	s19 =	simm.s32 $0x6A00;
	s12 =	simm.s32 $0xA200;
	[dreg:$0x10] =	wrdreg s28  }
0x1a: {  	v0 =	vand.u32 $0x7, v2;
	v2 =	vor.u32 $0x8, v2;
	v1 =	vmul.u32 $0x8, v1;
	s18 =	simm.s32 $0x6200;
	s21 =	simm.s32 $0x7A00;
	s24 =	simm.s32 $0xAA00  }
.LBB2_1:
0x1b: {  	s28 =	rddreg [dreg:$0x7];
	s0 =	simm.s32 $0x100  }
0x1c: {  	[tilespmem:s6], [sflag:$0x3] =	stream.strided.gather [hbm4b:s28+s22], $0x100, s0, s22, $0x38;
	[tilespmem:$0x18200] =	vst v63  }
0x1d: {  	s30 =	rddreg [dreg:$0x8]  }
0x1e: {  	[tilespmem:s0], [sflag:$0x4] =	stream.strided.gather [hbm4b:s30+s22], $0x100, s0, s22, $0x38;
	[tilespmem:$0x18200] =	vst v63  }
0x1f: {  	_ =	swait.ge [sflag:s9], $0x100  }
0x20: {  	[sflag:s9] =	ssyncset.done $0x0  }
0x21: {  	[sflag:s9] =	ssyncadd.s32 $0xFFFFFF00  }
0x22: {  	_ =	swait.ge [sflag:s11], $0x100  }
0x23: {  	[sflag:s11] =	ssyncset.done $0x0  }
0x24: {  	[sflag:s11] =	ssyncadd.s32 $0xFFFFFF00  }
0x25: {  	v3 =	vld [tilespmem:$0x0];
	_ =	sdelay $0x4  }
0x26: {  	v4 =	vshll.u32 v3, $0x1  }
0x27: {  	v3 =	vand.u32 $0x7, v3;
	v4 =	vand.u32 $0xFFFFFFF0, v4  }
0x28: {  	v3 =	vor.u32 v3, v4  }
0x29: {  	v4 =	vperm.xlane v3, v0;
	_ =	sdelay $0x1  }
0x2a: {  	v3 =	vperm.xlane v3, v2;
	v4 =	vadd.s32 v1, v4;
	_ =	sdelay $0x1  }
0x2b: {  	v3 =	vadd.s32 v1, v3;
	_ =	sdelay $0x1  }
0x2c: {  	s10 =	simm.s32 $0x200  }
0x2d: {  	[tilespmem:s10], [sflag:$0x1] =	stream.indirect_vreg.gather [hbm4b:s3+s6], $0x80, v4, vm0, $0xb8;
	[tilespmem:$0x18200] =	vst v63  }
0x2e: {  	s30 =	simm.s32 $0xA00  }
0x2f: {  	[tilespmem:s30], [sflag:$0x1] =	stream.indirect_vreg.gather [hbm4b:s3+s6], $0x80, v3, vm0, $0xb8;
	[tilespmem:$0x18200] =	vst v63  }
0x30: {  	v3 =	vld [tilespmem:$0x10];
	_ =	sdelay $0x4  }
0x31: {  	v33 =	vshll.u32 v3, $0x1  }
0x32: {  	v3 =	vand.u32 $0x7, v3;
	v4 =	vand.u32 $0xFFFFFFF0, v33  }
0x33: {  	v3 =	vor.u32 v3, v4  }
0x34: {  	v4 =	vperm.xlane v3, v0;
	_ =	sdelay $0x1  }
0x35: {  	v3 =	vperm.xlane v3, v2;
	v4 =	vadd.s32 v1, v4;
	_ =	sdelay $0x1  }
0x36: {  	v3 =	vadd.s32 v1, v3;
	_ =	sdelay $0x2  }
0x37: {  	[tilespmem:s31], [sflag:$0x1] =	stream.indirect_vreg.gather [hbm4b:s3+s6], $0x80, v4, vm0, $0xb8;
	[tilespmem:$0x18200] =	vst v63  }
0x38: {  	_ = 	snop  }
0x39: {  	[tilespmem:s4], [sflag:$0x1] =	stream.indirect_vreg.gather [hbm4b:s3+s6], $0x80, v3, vm0, $0xb8;
	[tilespmem:$0x18200] =	vst v63  }
0x3a: {  	v3 =	vld [tilespmem:$0x20];
	_ =	sdelay $0x4  }
0x3b: {  	v34 =	vshll.u32 v3, $0x1  }
0x3c: {  	v3 =	vand.u32 $0x7, v3;
	v4 =	vand.u32 $0xFFFFFFF0, v34  }
0x3d: {  	v3 =	vor.u32 v3, v4  }
0x3e: {  	v4 =	vperm.xlane v3, v0;
	_ =	sdelay $0x1  }
0x3f: {  	v3 =	vperm.xlane v3, v2;
	v4 =	vadd.s32 v1, v4;
	_ =	sdelay $0x1  }
0x40: {  	v3 =	vadd.s32 v1, v3;
	_ =	sdelay $0x2  }
0x41: {  	[tilespmem:s8], [sflag:$0x1] =	stream.indirect_vreg.gather [hbm4b:s3+s6], $0x80, v4, vm0, $0xb8;
	[tilespmem:$0x18200] =	vst v63  }
0x42: {  	s1 =	simm.s32 $0x2A00  }
0x43: {  	[tilespmem:s1], [sflag:$0x1] =	stream.indirect_vreg.gather [hbm4b:s3+s6], $0x80, v3, vm0, $0xb8;
	[tilespmem:$0x18200] =	vst v63  }
0x44: {  	v3 =	vld [tilespmem:$0x30];
	_ =	sdelay $0x4  }
0x45: {  	v35 =	vshll.u32 v3, $0x1  }
0x46: {  	v3 =	vand.u32 $0x7, v3;
	v4 =	vand.u32 $0xFFFFFFF0, v35  }
0x47: {  	v3 =	vor.u32 v3, v4  }
0x48: {  	v4 =	vperm.xlane v3, v0;
	_ =	sdelay $0x1  }
0x49: {  	v3 =	vperm.xlane v3, v2;
	v4 =	vadd.s32 v1, v4;
	_ =	sdelay $0x1  }
0x4a: {  	v3 =	vadd.s32 v1, v3;
	_ =	sdelay $0x1  }
0x4b: {  	s2 =	simm.s32 $0x3200  }
0x4c: {  	[tilespmem:s2], [sflag:$0x1] =	stream.indirect_vreg.gather [hbm4b:s3+s6], $0x80, v4, vm0, $0xb8;
	[tilespmem:$0x18200] =	vst v63  }
0x4d: {  	_ = 	snop  }
0x4e: {  	[tilespmem:s13], [sflag:$0x1] =	stream.indirect_vreg.gather [hbm4b:s3+s6], $0x80, v3, vm0, $0xb8;
	[tilespmem:$0x18200] =	vst v63  }
0x4f: {  	v3 =	vld [tilespmem:$0x40];
	_ =	sdelay $0x4  }
0x50: {  	v36 =	vshll.u32 v3, $0x1  }
0x51: {  	v3 =	vand.u32 $0x7, v3;
	v4 =	vand.u32 $0xFFFFFFF0, v36  }
0x52: {  	v3 =	vor.u32 v3, v4  }
0x53: {  	v4 =	vperm.xlane v3, v0;
	_ =	sdelay $0x1  }
0x54: {  	v3 =	vperm.xlane v3, v2;
	v4 =	vadd.s32 v1, v4;
	_ =	sdelay $0x1  }
0x55: {  	v3 =	vadd.s32 v1, v3;
	_ =	sdelay $0x2  }
0x56: {  	[tilespmem:s14], [sflag:$0x1] =	stream.indirect_vreg.gather [hbm4b:s3+s6], $0x80, v4, vm0, $0xb8;
	[tilespmem:$0x18200] =	vst v63  }
0x57: {  	_ = 	snop  }
0x58: {  	[tilespmem:s15], [sflag:$0x1] =	stream.indirect_vreg.gather [hbm4b:s3+s6], $0x80, v3, vm0, $0xb8;
	[tilespmem:$0x18200] =	vst v63  }
0x59: {  	v3 =	vld [tilespmem:$0x50];
	_ =	sdelay $0x4  }
0x5a: {  	v37 =	vshll.u32 v3, $0x1  }
0x5b: {  	v3 =	vand.u32 $0x7, v3;
	v4 =	vand.u32 $0xFFFFFFF0, v37  }
0x5c: {  	v3 =	vor.u32 v3, v4  }
0x5d: {  	v4 =	vperm.xlane v3, v0;
	_ =	sdelay $0x1  }
0x5e: {  	v3 =	vperm.xlane v3, v2;
	v4 =	vadd.s32 v1, v4;
	_ =	sdelay $0x1  }
0x5f: {  	v3 =	vadd.s32 v1, v3;
	_ =	sdelay $0x2  }
0x60: {  	[tilespmem:s16], [sflag:$0x1] =	stream.indirect_vreg.gather [hbm4b:s3+s6], $0x80, v4, vm0, $0xb8;
	[tilespmem:$0x18200] =	vst v63  }
0x61: {  	_ = 	snop  }
0x62: {  	[tilespmem:s17], [sflag:$0x1] =	stream.indirect_vreg.gather [hbm4b:s3+s6], $0x80, v3, vm0, $0xb8;
	[tilespmem:$0x18200] =	vst v63  }
0x63: {  	v3 =	vld [tilespmem:$0x60];
	_ =	sdelay $0x4  }
0x64: {  	v38 =	vshll.u32 v3, $0x1  }
0x65: {  	v3 =	vand.u32 $0x7, v3;
	v4 =	vand.u32 $0xFFFFFFF0, v38  }
0x66: {  	v3 =	vor.u32 v3, v4  }
0x67: {  	v4 =	vperm.xlane v3, v0;
	_ =	sdelay $0x1  }
0x68: {  	v3 =	vperm.xlane v3, v2;
	v4 =	vadd.s32 v1, v4;
	_ =	sdelay $0x1  }
0x69: {  	v3 =	vadd.s32 v1, v3;
	_ =	sdelay $0x2  }
0x6a: {  	[tilespmem:s18], [sflag:$0x1] =	stream.indirect_vreg.gather [hbm4b:s3+s6], $0x80, v4, vm0, $0xb8;
	[tilespmem:$0x18200] =	vst v63  }
0x6b: {  	_ = 	snop  }
0x6c: {  	[tilespmem:s19], [sflag:$0x1] =	stream.indirect_vreg.gather [hbm4b:s3+s6], $0x80, v3, vm0, $0xb8;
	[tilespmem:$0x18200] =	vst v63  }
0x6d: {  	v3 =	vld [tilespmem:$0x70];
	_ =	sdelay $0x4  }
0x6e: {  	v39 =	vshll.u32 v3, $0x1  }
0x6f: {  	v3 =	vand.u32 $0x7, v3;
	v4 =	vand.u32 $0xFFFFFFF0, v39  }
0x70: {  	v3 =	vor.u32 v3, v4  }
0x71: {  	v4 =	vperm.xlane v3, v0;
	_ =	sdelay $0x1  }
0x72: {  	v3 =	vperm.xlane v3, v2;
	v4 =	vadd.s32 v1, v4;
	_ =	sdelay $0x1  }
0x73: {  	v3 =	vadd.s32 v1, v3;
	_ =	sdelay $0x2  }
0x74: {  	[tilespmem:s20], [sflag:$0x1] =	stream.indirect_vreg.gather [hbm4b:s3+s6], $0x80, v4, vm0, $0xb8;
	[tilespmem:$0x18200] =	vst v63  }
0x75: {  	_ = 	snop  }
0x76: {  	[tilespmem:s21], [sflag:$0x1] =	stream.indirect_vreg.gather [hbm4b:s3+s6], $0x80, v3, vm0, $0xb8;
	[tilespmem:$0x18200] =	vst v63  }
0x77: {  	v3 =	vld [tilespmem:$0x80];
	_ =	sdelay $0x4  }
0x78: {  	v40 =	vshll.u32 v3, $0x1  }
0x79: {  	v3 =	vand.u32 $0x7, v3;
	v4 =	vand.u32 $0xFFFFFFF0, v40  }
0x7a: {  	v3 =	vor.u32 v3, v4  }
0x7b: {  	v4 =	vperm.xlane v3, v0;
	_ =	sdelay $0x1  }
0x7c: {  	v3 =	vperm.xlane v3, v2;
	v4 =	vadd.s32 v1, v4;
	_ =	sdelay $0x1  }
0x7d: {  	v3 =	vadd.s32 v1, v3;
	_ =	sdelay $0x2  }
0x7e: {  	[tilespmem:s25], [sflag:$0x2] =	stream.indirect_vreg.gather [hbm4b:s3+s6], $0x80, v4, vm0, $0xb8;
	[tilespmem:$0x18200] =	vst v63  }
0x7f: {  	s28 =	simm.s32 $0x8A00  }
0x80: {  	[tilespmem:s28], [sflag:$0x2] =	stream.indirect_vreg.gather [hbm4b:s3+s6], $0x80, v3, vm0, $0xb8;
	[tilespmem:$0x18200] =	vst v63  }
0x81: {  	v3 =	vld [tilespmem:$0x90];
	_ =	sdelay $0x4  }
0x82: {  	v41 =	vshll.u32 v3, $0x1  }
0x83: {  	v3 =	vand.u32 $0x7, v3;
	v4 =	vand.u32 $0xFFFFFFF0, v41  }
0x84: {  	v3 =	vor.u32 v3, v4  }
0x85: {  	v4 =	vperm.xlane v3, v0;
	_ =	sdelay $0x1  }
0x86: {  	v3 =	vperm.xlane v3, v2;
	v4 =	vadd.s32 v1, v4;
	_ =	sdelay $0x1  }
0x87: {  	v3 =	vadd.s32 v1, v3;
	_ =	sdelay $0x2  }
0x88: {  	[tilespmem:s26], [sflag:$0x2] =	stream.indirect_vreg.gather [hbm4b:s3+s6], $0x80, v4, vm0, $0xb8;
	[tilespmem:$0x18200] =	vst v63  }
0x89: {  	s10 =	simm.s32 $0x9A00  }
0x8a: {  	[tilespmem:s10], [sflag:$0x2] =	stream.indirect_vreg.gather [hbm4b:s3+s6], $0x80, v3, vm0, $0xb8;
	[tilespmem:$0x18200] =	vst v63  }
0x8b: {  	v3 =	vld [tilespmem:$0xA0];
	_ =	sdelay $0x4  }
0x8c: {  	v42 =	vshll.u32 v3, $0x1  }
0x8d: {  	v3 =	vand.u32 $0x7, v3;
	v4 =	vand.u32 $0xFFFFFFF0, v42  }
0x8e: {  	v3 =	vor.u32 v3, v4  }
0x8f: {  	v4 =	vperm.xlane v3, v0;
	_ =	sdelay $0x1  }
0x90: {  	v3 =	vperm.xlane v3, v2;
	v4 =	vadd.s32 v1, v4;
	_ =	sdelay $0x1  }
0x91: {  	v3 =	vadd.s32 v1, v3;
	_ =	sdelay $0x2  }
0x92: {  	[tilespmem:s12], [sflag:$0x2] =	stream.indirect_vreg.gather [hbm4b:s3+s6], $0x80, v4, vm0, $0xb8;
	[tilespmem:$0x18200] =	vst v63  }
0x93: {  	_ = 	snop  }
0x94: {  	[tilespmem:s24], [sflag:$0x2] =	stream.indirect_vreg.gather [hbm4b:s3+s6], $0x80, v3, vm0, $0xb8;
	[tilespmem:$0x18200] =	vst v63  }
0x95: {  	v3 =	vld [tilespmem:$0xB0];
	_ =	sdelay $0x4  }
0x96: {  	v43 =	vshll.u32 v3, $0x1  }
0x97: {  	v3 =	vand.u32 $0x7, v3;
	v4 =	vand.u32 $0xFFFFFFF0, v43  }
0x98: {  	v3 =	vor.u32 v3, v4  }
0x99: {  	v4 =	vperm.xlane v3, v0;
	_ =	sdelay $0x1  }
0x9a: {  	v3 =	vperm.xlane v3, v2;
	v4 =	vadd.s32 v1, v4;
	_ =	sdelay $0x1  }
0x9b: {  	v3 =	vadd.s32 v1, v3;
	_ =	sdelay $0x2  }
0x9c: {  	[tilespmem:s29], [sflag:$0x2] =	stream.indirect_vreg.gather [hbm4b:s3+s6], $0x80, v4, vm0, $0xb8;
	[tilespmem:$0x18200] =	vst v63  }
0x9d: {  	s28 =	simm.s32 $0xBA00  }
0x9e: {  	[tilespmem:s28], [sflag:$0x2] =	stream.indirect_vreg.gather [hbm4b:s3+s6], $0x80, v3, vm0, $0xb8;
	[tilespmem:$0x18200] =	vst v63  }
0x9f: {  	v3 =	vld [tilespmem:$0xC0];
	_ =	sdelay $0x4  }
0xa0: {  	v44 =	vshll.u32 v3, $0x1  }
0xa1: {  	v3 =	vand.u32 $0x7, v3;
	v4 =	vand.u32 $0xFFFFFFF0, v44  }
0xa2: {  	v3 =	vor.u32 v3, v4  }
0xa3: {  	v4 =	vperm.xlane v3, v0;
	_ =	sdelay $0x1  }
0xa4: {  	v3 =	vperm.xlane v3, v2;
	v4 =	vadd.s32 v1, v4;
	_ =	sdelay $0x1  }
0xa5: {  	v3 =	vadd.s32 v1, v3;
	_ =	sdelay $0x1  }
0xa6: {  	s10 =	simm.s32 $0xC200  }
0xa7: {  	[tilespmem:s10], [sflag:$0x2] =	stream.indirect_vreg.gather [hbm4b:s3+s6], $0x80, v4, vm0, $0xb8;
	[tilespmem:$0x18200] =	vst v63  }
0xa8: {  	s28 =	simm.s32 $0xCA00  }
0xa9: {  	[tilespmem:s28], [sflag:$0x2] =	stream.indirect_vreg.gather [hbm4b:s3+s6], $0x80, v3, vm0, $0xb8;
	[tilespmem:$0x18200] =	vst v63  }
0xaa: {  	v3 =	vld [tilespmem:$0xD0];
	_ =	sdelay $0x4  }
0xab: {  	v45 =	vshll.u32 v3, $0x1  }
0xac: {  	v3 =	vand.u32 $0x7, v3;
	v4 =	vand.u32 $0xFFFFFFF0, v45  }
0xad: {  	v3 =	vor.u32 v3, v4  }
0xae: {  	v4 =	vperm.xlane v3, v0;
	_ =	sdelay $0x1  }
0xaf: {  	v3 =	vperm.xlane v3, v2;
	v4 =	vadd.s32 v1, v4;
	_ =	sdelay $0x1  }
0xb0: {  	v3 =	vadd.s32 v1, v3;
	_ =	sdelay $0x1  }
0xb1: {  	s10 =	simm.s32 $0xD200  }
0xb2: {  	[tilespmem:s10], [sflag:$0x2] =	stream.indirect_vreg.gather [hbm4b:s3+s6], $0x80, v4, vm0, $0xb8;
	[tilespmem:$0x18200] =	vst v63  }
0xb3: {  	s28 =	simm.s32 $0xDA00  }
0xb4: {  	[tilespmem:s28], [sflag:$0x2] =	stream.indirect_vreg.gather [hbm4b:s3+s6], $0x80, v3, vm0, $0xb8;
	[tilespmem:$0x18200] =	vst v63  }
0xb5: {  	v3 =	vld [tilespmem:$0xE0];
	_ =	sdelay $0x4  }
0xb6: {  	v46 =	vshll.u32 v3, $0x1  }
0xb7: {  	v3 =	vand.u32 $0x7, v3;
	v4 =	vand.u32 $0xFFFFFFF0, v46  }
0xb8: {  	v3 =	vor.u32 v3, v4  }
0xb9: {  	v4 =	vperm.xlane v3, v0;
	_ =	sdelay $0x1  }
0xba: {  	v3 =	vperm.xlane v3, v2;
	v4 =	vadd.s32 v1, v4;
	_ =	sdelay $0x1  }
0xbb: {  	v3 =	vadd.s32 v1, v3;
	_ =	sdelay $0x1  }
0xbc: {  	s10 =	simm.s32 $0xE200  }
0xbd: {  	[tilespmem:s10], [sflag:$0x2] =	stream.indirect_vreg.gather [hbm4b:s3+s6], $0x80, v4, vm0, $0xb8;
	[tilespmem:$0x18200] =	vst v63  }
0xbe: {  	s28 =	simm.s32 $0xEA00  }
0xbf: {  	[tilespmem:s28], [sflag:$0x2] =	stream.indirect_vreg.gather [hbm4b:s3+s6], $0x80, v3, vm0, $0xb8;
	[tilespmem:$0x18200] =	vst v63  }
0xc0: {  	v3 =	vld [tilespmem:$0xF0];
	_ =	sdelay $0x4  }
0xc1: {  	v47 =	vshll.u32 v3, $0x1  }
0xc2: {  	v3 =	vand.u32 $0x7, v3;
	v4 =	vand.u32 $0xFFFFFFF0, v47  }
0xc3: {  	v3 =	vor.u32 v3, v4  }
0xc4: {  	v4 =	vperm.xlane v3, v0;
	_ =	sdelay $0x1  }
0xc5: {  	v3 =	vperm.xlane v3, v2;
	v4 =	vadd.s32 v1, v4;
	_ =	sdelay $0x1  }
0xc6: {  	v3 =	vadd.s32 v1, v3;
	_ =	sdelay $0x1  }
0xc7: {  	s10 =	simm.s32 $0xF200  }
0xc8: {  	[tilespmem:s10], [sflag:$0x2] =	stream.indirect_vreg.gather [hbm4b:s3+s6], $0x80, v4, vm0, $0xb8;
	[tilespmem:$0x18200] =	vst v63  }
0xc9: {  	s0 =	simm.s32 $0x1;
	s28 =	simm.s32 $0xFA00  }
0xca: {  	[tilespmem:s28], [sflag:$0x2] =	stream.indirect_vreg.gather [hbm4b:s3+s6], $0x80, v3, vm0, $0xb8;
	[tilespmem:$0x18200] =	vst v63  }
0xcb: {  	_ =	swait.ge [sflag:s0], $0x8000  }
0xcc: {  	[sflag:s0] =	ssyncset.done $0x0  }
0xcd: {  	s10 =	simm.s32 $0x200;
	s28 =	rddreg [dreg:$0x9];
	[sflag:s0] =	ssyncadd.s32 $0xFFFF8000  }
0xce: {  	[hbm4b:s28+s6] =	stream.linear.scatter [tilespmem:s10], [sflag:$0x5], $0x8000, $0x38;
	[tilespmem:$0x18200] =	vst v63  }
0xcf: {  	_ =	swait.ge [sflag:s23], $0x8000  }
0xd0: {  	[sflag:s23] =	ssyncset.done $0x0  }
0xd1: {  	[sflag:s23] =	ssyncadd.s32 $0xFFFF8000  }
0xd2: {  	v3 =	vld [tilespmem:$0x100];
	_ =	sdelay $0x4  }
0xd3: {  	v48 =	vshll.u32 v3, $0x1  }
0xd4: {  	v3 =	vand.u32 $0x7, v3;
	v4 =	vand.u32 $0xFFFFFFF0, v48  }
0xd5: {  	v3 =	vor.u32 v3, v4  }
0xd6: {  	v4 =	vperm.xlane v3, v0;
	_ =	sdelay $0x1  }
0xd7: {  	v3 =	vperm.xlane v3, v2;
	v4 =	vadd.s32 v1, v4;
	_ =	sdelay $0x1  }
0xd8: {  	v3 =	vadd.s32 v1, v3;
	_ =	sdelay $0x2  }
0xd9: {  	[tilespmem:s10], [sflag:$0x1] =	stream.indirect_vreg.gather [hbm4b:s5+s6], $0x80, v4, vm0, $0xb8;
	[tilespmem:$0x18200] =	vst v63  }
0xda: {  	_ = 	snop  }
0xdb: {  	[tilespmem:s30], [sflag:$0x1] =	stream.indirect_vreg.gather [hbm4b:s5+s6], $0x80, v3, vm0, $0xb8;
	[tilespmem:$0x18200] =	vst v63  }
0xdc: {  	v3 =	vld [tilespmem:$0x110];
	_ =	sdelay $0x4  }
0xdd: {  	v49 =	vshll.u32 v3, $0x1  }
0xde: {  	v3 =	vand.u32 $0x7, v3;
	v4 =	vand.u32 $0xFFFFFFF0, v49  }
0xdf: {  	v3 =	vor.u32 v3, v4  }
0xe0: {  	v4 =	vperm.xlane v3, v0;
	_ =	sdelay $0x1  }
0xe1: {  	v3 =	vperm.xlane v3, v2;
	v4 =	vadd.s32 v1, v4;
	_ =	sdelay $0x1  }
0xe2: {  	v3 =	vadd.s32 v1, v3;
	_ =	sdelay $0x2  }
0xe3: {  	[tilespmem:s31], [sflag:$0x1] =	stream.indirect_vreg.gather [hbm4b:s5+s6], $0x80, v4, vm0, $0xb8;
	[tilespmem:$0x18200] =	vst v63  }
0xe4: {  	_ = 	snop  }
0xe5: {  	[tilespmem:s4], [sflag:$0x1] =	stream.indirect_vreg.gather [hbm4b:s5+s6], $0x80, v3, vm0, $0xb8;
	[tilespmem:$0x18200] =	vst v63  }
0xe6: {  	v3 =	vld [tilespmem:$0x120];
	_ =	sdelay $0x4  }
0xe7: {  	v50 =	vshll.u32 v3, $0x1  }
0xe8: {  	v3 =	vand.u32 $0x7, v3;
	v4 =	vand.u32 $0xFFFFFFF0, v50  }
0xe9: {  	v3 =	vor.u32 v3, v4  }
0xea: {  	v4 =	vperm.xlane v3, v0;
	_ =	sdelay $0x1  }
0xeb: {  	v3 =	vperm.xlane v3, v2;
	v4 =	vadd.s32 v1, v4;
	_ =	sdelay $0x1  }
0xec: {  	v3 =	vadd.s32 v1, v3;
	_ =	sdelay $0x2  }
0xed: {  	[tilespmem:s8], [sflag:$0x1] =	stream.indirect_vreg.gather [hbm4b:s5+s6], $0x80, v4, vm0, $0xb8;
	[tilespmem:$0x18200] =	vst v63  }
0xee: {  	_ = 	snop  }
0xef: {  	[tilespmem:s1], [sflag:$0x1] =	stream.indirect_vreg.gather [hbm4b:s5+s6], $0x80, v3, vm0, $0xb8;
	[tilespmem:$0x18200] =	vst v63  }
0xf0: {  	v3 =	vld [tilespmem:$0x130];
	_ =	sdelay $0x4  }
0xf1: {  	v51 =	vshll.u32 v3, $0x1  }
0xf2: {  	v3 =	vand.u32 $0x7, v3;
	v4 =	vand.u32 $0xFFFFFFF0, v51  }
0xf3: {  	v3 =	vor.u32 v3, v4  }
0xf4: {  	v4 =	vperm.xlane v3, v0;
	_ =	sdelay $0x1  }
0xf5: {  	v3 =	vperm.xlane v3, v2;
	v4 =	vadd.s32 v1, v4;
	_ =	sdelay $0x1  }
0xf6: {  	v3 =	vadd.s32 v1, v3;
	_ =	sdelay $0x2  }
0xf7: {  	[tilespmem:s2], [sflag:$0x1] =	stream.indirect_vreg.gather [hbm4b:s5+s6], $0x80, v4, vm0, $0xb8;
	[tilespmem:$0x18200] =	vst v63  }
0xf8: {  	_ = 	snop  }
0xf9: {  	[tilespmem:s13], [sflag:$0x1] =	stream.indirect_vreg.gather [hbm4b:s5+s6], $0x80, v3, vm0, $0xb8;
	[tilespmem:$0x18200] =	vst v63  }
0xfa: {  	v3 =	vld [tilespmem:$0x140];
	_ =	sdelay $0x4  }
0xfb: {  	v52 =	vshll.u32 v3, $0x1  }
0xfc: {  	v3 =	vand.u32 $0x7, v3;
	v4 =	vand.u32 $0xFFFFFFF0, v52  }
0xfd: {  	v3 =	vor.u32 v3, v4  }
0xfe: {  	v4 =	vperm.xlane v3, v0;
	_ =	sdelay $0x1  }
0xff: {  	v3 =	vperm.xlane v3, v2;
	v4 =	vadd.s32 v1, v4;
	_ =	sdelay $0x1  }
0x100: {  	v3 =	vadd.s32 v1, v3;
	_ =	sdelay $0x2  }
0x101: {  	[tilespmem:s14], [sflag:$0x1] =	stream.indirect_vreg.gather [hbm4b:s5+s6], $0x80, v4, vm0, $0xb8;
	[tilespmem:$0x18200] =	vst v63  }
0x102: {  	_ = 	snop  }
0x103: {  	[tilespmem:s15], [sflag:$0x1] =	stream.indirect_vreg.gather [hbm4b:s5+s6], $0x80, v3, vm0, $0xb8;
	[tilespmem:$0x18200] =	vst v63  }
0x104: {  	v3 =	vld [tilespmem:$0x150];
	_ =	sdelay $0x4  }
0x105: {  	v53 =	vshll.u32 v3, $0x1  }
0x106: {  	v3 =	vand.u32 $0x7, v3;
	v4 =	vand.u32 $0xFFFFFFF0, v53  }
0x107: {  	v3 =	vor.u32 v3, v4  }
0x108: {  	v4 =	vperm.xlane v3, v0;
	_ =	sdelay $0x1  }
0x109: {  	v3 =	vperm.xlane v3, v2;
	v4 =	vadd.s32 v1, v4;
	_ =	sdelay $0x1  }
0x10a: {  	v3 =	vadd.s32 v1, v3;
	_ =	sdelay $0x2  }
0x10b: {  	[tilespmem:s16], [sflag:$0x1] =	stream.indirect_vreg.gather [hbm4b:s5+s6], $0x80, v4, vm0, $0xb8;
	[tilespmem:$0x18200] =	vst v63  }
0x10c: {  	_ = 	snop  }
0x10d: {  	[tilespmem:s17], [sflag:$0x1] =	stream.indirect_vreg.gather [hbm4b:s5+s6], $0x80, v3, vm0, $0xb8;
	[tilespmem:$0x18200] =	vst v63  }
0x10e: {  	v3 =	vld [tilespmem:$0x160];
	_ =	sdelay $0x4  }
0x10f: {  	v54 =	vshll.u32 v3, $0x1  }
0x110: {  	v3 =	vand.u32 $0x7, v3;
	v4 =	vand.u32 $0xFFFFFFF0, v54  }
0x111: {  	v3 =	vor.u32 v3, v4  }
0x112: {  	v4 =	vperm.xlane v3, v0;
	_ =	sdelay $0x1  }
0x113: {  	v3 =	vperm.xlane v3, v2;
	v4 =	vadd.s32 v1, v4;
	_ =	sdelay $0x1  }
0x114: {  	v3 =	vadd.s32 v1, v3;
	_ =	sdelay $0x2  }
0x115: {  	[tilespmem:s18], [sflag:$0x1] =	stream.indirect_vreg.gather [hbm4b:s5+s6], $0x80, v4, vm0, $0xb8;
	[tilespmem:$0x18200] =	vst v63  }
0x116: {  	_ = 	snop  }
0x117: {  	[tilespmem:s19], [sflag:$0x1] =	stream.indirect_vreg.gather [hbm4b:s5+s6], $0x80, v3, vm0, $0xb8;
	[tilespmem:$0x18200] =	vst v63  }
0x118: {  	v3 =	vld [tilespmem:$0x170];
	_ =	sdelay $0x4  }
0x119: {  	v55 =	vshll.u32 v3, $0x1  }
0x11a: {  	v3 =	vand.u32 $0x7, v3;
	v4 =	vand.u32 $0xFFFFFFF0, v55  }
0x11b: {  	v3 =	vor.u32 v3, v4  }
0x11c: {  	v4 =	vperm.xlane v3, v0;
	_ =	sdelay $0x1  }
0x11d: {  	v3 =	vperm.xlane v3, v2;
	v4 =	vadd.s32 v1, v4;
	_ =	sdelay $0x1  }
0x11e: {  	v3 =	vadd.s32 v1, v3;
	_ =	sdelay $0x2  }
0x11f: {  	[tilespmem:s20], [sflag:$0x1] =	stream.indirect_vreg.gather [hbm4b:s5+s6], $0x80, v4, vm0, $0xb8;
	[tilespmem:$0x18200] =	vst v63  }
0x120: {  	s1 =	simm.s32 $0x2  }
0x121: {  	[tilespmem:s21], [sflag:$0x1] =	stream.indirect_vreg.gather [hbm4b:s5+s6], $0x80, v3, vm0, $0xb8;
	[tilespmem:$0x18200] =	vst v63  }
0x122: {  	_ =	swait.ge [sflag:s1], $0x8000  }
0x123: {  	[sflag:s1] =	ssyncset.done $0x0  }
0x124: {  	s2 =	rddreg [dreg:$0xa];
	[sflag:s1] =	ssyncadd.s32 $0xFFFF8000  }
0x125: {  	[hbm4b:s2+s6] =	stream.linear.scatter [tilespmem:s25], [sflag:$0x5], $0x8000, $0x38;
	[tilespmem:$0x18200] =	vst v63  }
0x126: {  	_ =	swait.ge [sflag:s23], $0x8000  }
0x127: {  	[sflag:s23] =	ssyncset.done $0x0  }
0x128: {  	[sflag:s23] =	ssyncadd.s32 $0xFFFF8000  }
0x129: {  	v3 =	vld [tilespmem:$0x180];
	_ =	sdelay $0x4  }
0x12a: {  	v56 =	vshll.u32 v3, $0x1  }
0x12b: {  	v3 =	vand.u32 $0x7, v3;
	v4 =	vand.u32 $0xFFFFFFF0, v56  }
0x12c: {  	v3 =	vor.u32 v3, v4  }
0x12d: {  	v4 =	vperm.xlane v3, v0;
	_ =	sdelay $0x1  }
0x12e: {  	v3 =	vperm.xlane v3, v2;
	v4 =	vadd.s32 v1, v4;
	_ =	sdelay $0x1  }
0x12f: {  	v3 =	vadd.s32 v1, v3;
	_ =	sdelay $0x2  }
0x130: {  	[tilespmem:s25], [sflag:$0x2] =	stream.indirect_vreg.gather [hbm4b:s5+s6], $0x80, v4, vm0, $0xb8;
	[tilespmem:$0x18200] =	vst v63  }
0x131: {  	s30 =	simm.s32 $0x8A00  }
0x132: {  	[tilespmem:s30], [sflag:$0x2] =	stream.indirect_vreg.gather [hbm4b:s5+s6], $0x80, v3, vm0, $0xb8;
	[tilespmem:$0x18200] =	vst v63  }
0x133: {  	v3 =	vld [tilespmem:$0x190];
	_ =	sdelay $0x4  }
0x134: {  	v57 =	vshll.u32 v3, $0x1  }
0x135: {  	v3 =	vand.u32 $0x7, v3;
	v4 =	vand.u32 $0xFFFFFFF0, v57  }
0x136: {  	v3 =	vor.u32 v3, v4  }
0x137: {  	v4 =	vperm.xlane v3, v0;
	_ =	sdelay $0x1  }
0x138: {  	v3 =	vperm.xlane v3, v2;
	v4 =	vadd.s32 v1, v4;
	_ =	sdelay $0x1  }
0x139: {  	v3 =	vadd.s32 v1, v3;
	_ =	sdelay $0x2  }
0x13a: {  	[tilespmem:s26], [sflag:$0x2] =	stream.indirect_vreg.gather [hbm4b:s5+s6], $0x80, v4, vm0, $0xb8;
	[tilespmem:$0x18200] =	vst v63  }
0x13b: {  	s28 =	simm.s32 $0x9A00  }
0x13c: {  	[tilespmem:s28], [sflag:$0x2] =	stream.indirect_vreg.gather [hbm4b:s5+s6], $0x80, v3, vm0, $0xb8;
	[tilespmem:$0x18200] =	vst v63  }
0x13d: {  	v3 =	vld [tilespmem:$0x1A0];
	_ =	sdelay $0x4  }
0x13e: {  	v58 =	vshll.u32 v3, $0x1  }
0x13f: {  	v3 =	vand.u32 $0x7, v3;
	v4 =	vand.u32 $0xFFFFFFF0, v58  }
0x140: {  	v3 =	vor.u32 v3, v4  }
0x141: {  	v4 =	vperm.xlane v3, v0;
	_ =	sdelay $0x1  }
0x142: {  	v3 =	vperm.xlane v3, v2;
	v4 =	vadd.s32 v1, v4;
	_ =	sdelay $0x1  }
0x143: {  	v3 =	vadd.s32 v1, v3;
	_ =	sdelay $0x2  }
0x144: {  	[tilespmem:s12], [sflag:$0x2] =	stream.indirect_vreg.gather [hbm4b:s5+s6], $0x80, v4, vm0, $0xb8;
	[tilespmem:$0x18200] =	vst v63  }
0x145: {  	_ = 	snop  }
0x146: {  	[tilespmem:s24], [sflag:$0x2] =	stream.indirect_vreg.gather [hbm4b:s5+s6], $0x80, v3, vm0, $0xb8;
	[tilespmem:$0x18200] =	vst v63  }
0x147: {  	v3 =	vld [tilespmem:$0x1B0];
	_ =	sdelay $0x4  }
0x148: {  	v59 =	vshll.u32 v3, $0x1  }
0x149: {  	v3 =	vand.u32 $0x7, v3;
	v4 =	vand.u32 $0xFFFFFFF0, v59  }
0x14a: {  	v3 =	vor.u32 v3, v4  }
0x14b: {  	v4 =	vperm.xlane v3, v0;
	_ =	sdelay $0x1  }
0x14c: {  	v3 =	vperm.xlane v3, v2;
	v4 =	vadd.s32 v1, v4;
	_ =	sdelay $0x1  }
0x14d: {  	v3 =	vadd.s32 v1, v3;
	_ =	sdelay $0x2  }
0x14e: {  	[tilespmem:s29], [sflag:$0x2] =	stream.indirect_vreg.gather [hbm4b:s5+s6], $0x80, v4, vm0, $0xb8;
	[tilespmem:$0x18200] =	vst v63  }
0x14f: {  	s30 =	simm.s32 $0xBA00  }
0x150: {  	[tilespmem:s30], [sflag:$0x2] =	stream.indirect_vreg.gather [hbm4b:s5+s6], $0x80, v3, vm0, $0xb8;
	[tilespmem:$0x18200] =	vst v63  }
0x151: {  	v3 =	vld [tilespmem:$0x1C0];
	_ =	sdelay $0x4  }
0x152: {  	v60 =	vshll.u32 v3, $0x1  }
0x153: {  	v3 =	vand.u32 $0x7, v3;
	v4 =	vand.u32 $0xFFFFFFF0, v60  }
0x154: {  	v3 =	vor.u32 v3, v4  }
0x155: {  	v4 =	vperm.xlane v3, v0;
	_ =	sdelay $0x1  }
0x156: {  	v3 =	vperm.xlane v3, v2;
	v4 =	vadd.s32 v1, v4;
	_ =	sdelay $0x1  }
0x157: {  	v3 =	vadd.s32 v1, v3;
	_ =	sdelay $0x1  }
0x158: {  	s28 =	simm.s32 $0xC200  }
0x159: {  	[tilespmem:s28], [sflag:$0x2] =	stream.indirect_vreg.gather [hbm4b:s5+s6], $0x80, v4, vm0, $0xb8;
	[tilespmem:$0x18200] =	vst v63  }
0x15a: {  	s30 =	simm.s32 $0xCA00  }
0x15b: {  	[tilespmem:s30], [sflag:$0x2] =	stream.indirect_vreg.gather [hbm4b:s5+s6], $0x80, v3, vm0, $0xb8;
	[tilespmem:$0x18200] =	vst v63  }
0x15c: {  	v3 =	vld [tilespmem:$0x1D0];
	_ =	sdelay $0x4  }
0x15d: {  	v61 =	vshll.u32 v3, $0x1  }
0x15e: {  	v3 =	vand.u32 $0x7, v3;
	v4 =	vand.u32 $0xFFFFFFF0, v61  }
0x15f: {  	v3 =	vor.u32 v3, v4  }
0x160: {  	v4 =	vperm.xlane v3, v0;
	_ =	sdelay $0x1  }
0x161: {  	v3 =	vperm.xlane v3, v2;
	v4 =	vadd.s32 v1, v4;
	_ =	sdelay $0x1  }
0x162: {  	v3 =	vadd.s32 v1, v3;
	_ =	sdelay $0x1  }
0x163: {  	s28 =	simm.s32 $0xD200  }
0x164: {  	[tilespmem:s28], [sflag:$0x2] =	stream.indirect_vreg.gather [hbm4b:s5+s6], $0x80, v4, vm0, $0xb8;
	[tilespmem:$0x18200] =	vst v63  }
0x165: {  	s30 =	simm.s32 $0xDA00  }
0x166: {  	[tilespmem:s30], [sflag:$0x2] =	stream.indirect_vreg.gather [hbm4b:s5+s6], $0x80, v3, vm0, $0xb8;
	[tilespmem:$0x18200] =	vst v63  }
0x167: {  	v3 =	vld [tilespmem:$0x1E0];
	_ =	sdelay $0x4  }
0x168: {  	v62 =	vshll.u32 v3, $0x1  }
0x169: {  	v3 =	vand.u32 $0x7, v3;
	v4 =	vand.u32 $0xFFFFFFF0, v62  }
0x16a: {  	v3 =	vor.u32 v3, v4  }
0x16b: {  	v4 =	vperm.xlane v3, v0;
	_ =	sdelay $0x1  }
0x16c: {  	v3 =	vperm.xlane v3, v2;
	v4 =	vadd.s32 v1, v4;
	_ =	sdelay $0x1  }
0x16d: {  	v3 =	vadd.s32 v1, v3;
	_ =	sdelay $0x1  }
0x16e: {  	s28 =	simm.s32 $0xE200  }
0x16f: {  	[tilespmem:s28], [sflag:$0x2] =	stream.indirect_vreg.gather [hbm4b:s5+s6], $0x80, v4, vm0, $0xb8;
	[tilespmem:$0x18200] =	vst v63  }
0x170: {  	s30 =	simm.s32 $0xEA00  }
0x171: {  	[tilespmem:s30], [sflag:$0x2] =	stream.indirect_vreg.gather [hbm4b:s5+s6], $0x80, v3, vm0, $0xb8;
	[tilespmem:$0x18200] =	vst v63  }
0x172: {  	v3 =	vld [tilespmem:$0x1F0];
	_ =	sdelay $0x4  }
0x173: {  	v63 =	vshll.u32 v3, $0x1  }
0x174: {  	v3 =	vand.u32 $0x7, v3;
	v4 =	vand.u32 $0xFFFFFFF0, v63  }
0x175: {  	v3 =	vor.u32 v3, v4  }
0x176: {  	v4 =	vperm.xlane v3, v0;
	_ =	sdelay $0x1  }
0x177: {  	v3 =	vperm.xlane v3, v2;
	v4 =	vadd.s32 v1, v4;
	_ =	sdelay $0x1  }
0x178: {  	v3 =	vadd.s32 v1, v3;
	_ =	sdelay $0x1  }
0x179: {  	s28 =	simm.s32 $0xF200  }
0x17a: {  	[tilespmem:s28], [sflag:$0x2] =	stream.indirect_vreg.gather [hbm4b:s5+s6], $0x80, v4, vm0, $0xb8;
	[tilespmem:$0x18200] =	vst v63  }
0x17b: {  	s30 =	simm.s32 $0xFA00  }
0x17c: {  	[tilespmem:s30], [sflag:$0x2] =	stream.indirect_vreg.gather [hbm4b:s5+s6], $0x80, v3, vm0, $0xb8;
	[tilespmem:$0x18200] =	vst v63  }
0x17d: {  	_ =	swait.ge [sflag:s0], $0x8000  }
0x17e: {  	[sflag:s0] =	ssyncset.done $0x0  }
0x17f: {  	s10 =	simm.s32 $0x200;
	s2 =	rddreg [dreg:$0xb];
	[sflag:s0] =	ssyncadd.s32 $0xFFFF8000  }
0x180: {  	[hbm4b:s2+s6] =	stream.linear.scatter [tilespmem:s10], [sflag:$0x5], $0x8000, $0x38;
	[tilespmem:$0x18200] =	vst v63  }
0x181: {  	_ =	swait.ge [sflag:s23], $0x8000  }
0x182: {  	[sflag:s23] =	ssyncset.done $0x0  }
0x183: {  	[sflag:s23] =	ssyncadd.s32 $0xFFFF8000  }
0x184: {  	s0 =	simm.s32 $0x10200;
	s10 =	rddreg [dreg:$0x1]  }
0x185: {  	[tilespmem:s0], [sflag:$0x3] =	stream.indirect.gather [hbm4b:s10+s22], $0x80, s6, s22, $0xb8;
	[tilespmem:$0x18200] =	vst v63  }
0x186: {  	_ =	swait.ge [sflag:s1], $0x8000  }
0x187: {  	[sflag:s1] =	ssyncset.done $0x0  }
0x188: {  	s2 =	rddreg [dreg:$0xc];
	[sflag:s1] =	ssyncadd.s32 $0xFFFF8000  }
0x189: {  	[hbm4b:s2+s6] =	stream.linear.scatter [tilespmem:s25], [sflag:$0x5], $0x8000, $0x38;
	[tilespmem:$0x18200] =	vst v63  }
0x18a: {  	_ =	swait.ge [sflag:s23], $0x8000  }
0x18b: {  	[sflag:s23] =	ssyncset.done $0x0  }
0x18c: {  	s1 =	simm.s32 $0x14200;
	[sflag:s23] =	ssyncadd.s32 $0xFFFF8000  }
0x18d: {  	[tilespmem:s1], [sflag:$0x4] =	stream.indirect.gather [hbm4b:s10+s22], $0x80, s22, s22, $0xb8;
	[tilespmem:$0x18200] =	vst v63  }
0x18e: {  	_ =	swait.ge [sflag:s9], $0x4000  }
0x18f: {  	[sflag:s9] =	ssyncset.done $0x0  }
0x190: {  	s10 =	rddreg [dreg:$0xd];
	[sflag:s9] =	ssyncadd.s32 $0xFFFFC000  }
0x191: {  	[hbm4b:s10+s6] =	stream.linear.scatter [tilespmem:s0], [sflag:$0x5], $0x4000, $0x38;
	[tilespmem:$0x18200] =	vst v63  }
0x192: {  	_ =	swait.ge [sflag:s23], $0x4000  }
0x193: {  	[sflag:s23] =	ssyncset.done $0x0  }
0x194: {  	[sflag:s23] =	ssyncadd.s32 $0xFFFFC000  }
0x195: {  	s28 =	simm.s32 $0x100;
	s30 =	rddreg [dreg:$0x2]  }
0x196: {  	[tilespmem:s0], [sflag:$0x3] =	stream.indirect.gather [hbm4b:s30+s22], $0x80, s28, s22, $0xb8;
	[tilespmem:$0x18200] =	vst v63  }
0x197: {  	_ =	swait.ge [sflag:s11], $0x4000  }
0x198: {  	[sflag:s11] =	ssyncset.done $0x0  }
0x199: {  	s10 =	rddreg [dreg:$0xe];
	[sflag:s11] =	ssyncadd.s32 $0xFFFFC000  }
0x19a: {  	[hbm4b:s10+s6] =	stream.linear.scatter [tilespmem:s1], [sflag:$0x5], $0x4000, $0x38;
	[tilespmem:$0x18200] =	vst v63  }
0x19b: {  	_ =	swait.ge [sflag:s23], $0x4000  }
0x19c: {  	[sflag:s23] =	ssyncset.done $0x0  }
0x19d: {  	s2 =	rddreg [dreg:$0x11];
	[sflag:s23] =	ssyncadd.s32 $0xFFFFC000  }
0x19e: {  	[tilespmem:s1], [sflag:$0x4] =	stream.indirect.gather [hbm4b:s30+s22], $0x80, s2, s22, $0xb8;
	[tilespmem:$0x18200] =	vst v63  }
0x19f: {  	_ =	swait.ge [sflag:s9], $0x4000  }
0x1a0: {  	[sflag:s9] =	ssyncset.done $0x0  }
0x1a1: {  	s10 =	rddreg [dreg:$0xf];
	[sflag:s9] =	ssyncadd.s32 $0xFFFFC000  }
0x1a2: {  	[hbm4b:s10+s6] =	stream.linear.scatter [tilespmem:s0], [sflag:$0x5], $0x4000, $0x38;
	[tilespmem:$0x18200] =	vst v63  }
0x1a3: {  	_ =	swait.ge [sflag:s23], $0x4000  }
0x1a4: {  	[sflag:s23] =	ssyncset.done $0x0  }
0x1a5: {  	[sflag:s23] =	ssyncadd.s32 $0xFFFFC000  }
0x1a6: {  	_ =	swait.ge [sflag:s11], $0x4000  }
0x1a7: {  	p0 =	sne.s32 s7, $0x1;
	[sflag:s11] =	ssyncset.done $0x0  }
.Ltmp0:
0x1a8: {  	s30 =	rddreg [dreg:$0x10];
	[sflag:s11] =	ssyncadd.s32 $0xFFFFC000;
	(pc) =	sbr.rel @p0 .LBB2_1-.Ltmp0, $4  }
0x1a9: {  	[hbm4b:s30+s6] =	stream.linear.scatter [tilespmem:s1], [sflag:$0x5], $0x4000, $0x38;
	[tilespmem:$0x18200] =	vst v63  }
0x1aa: {  	_ =	swait.ge [sflag:s23], $0x4000  }
0x1ab: {  	[sflag:s23] =	ssyncset.done $0x0  }
0x1ac: {  	s7 =	sadd.s32 $0xFFFFFFFF, s7;
	[sflag:s23] =	ssyncadd.s32 $0xFFFFC000  }
0x1ad: {  	_ =	sfence.sel $0x180000  }
0x1ae: {  	[bflag:$0x0] =	sbarrier.arrive $0xFFFF  }
0x1af: {  	_ =	strace $0x9000004A  }
0x1b0: {  	s0 =	stileid.u32;
	[bflag:$0x2] =	sbarrier.arrive $0xFFFF  }
0x1b1: {  	p0 =	sne.s32 s0, $0x0;
	s0 =	rddreg [dreg:$0x6]  }
0x1b2: {  	s0 =	sadd.s32 @!p0 $0x100000, s0  }
0x1b3: {  	[sflag:s0] =	ssyncadd.tile.s32 @!p0 $0x1;
	_ =	shalt  }
.Lfunc_end2:
_tile_overlayer_lowered:
.L_overlay_start_2:
0x1b4: {  	(tag) =	ssettag $0x2  }
0x1b5: {  	s0 =	rddreg [dreg:$0x0];
	s2 =	stileid.u32  }
0x1b6: {  	s1 =	rddreg [dreg:$0x1];
	p0 =	sne.s32 s2, $0x0  }
0x1b7: {  	s3 =	rddreg [dreg:$0x2];
	[bflag:$0x3] =	sbarrier.arrive $0xFFFF;
	s2 =	simm.s32 @!p0 $0x1C05  }
0x1b8: {  	[timem:s3], [sflag:s2] =	dma.local @!p0 [hbm:s0], s1  }
0x1b9: {  	s0 =	simm.s32 @!p0 $0x5  }
0x1ba: {  	_ =	swait.ge @!p0 [sflag:s0], s1  }
0x1bb: {  	s1 =	ssub.s32 @!p0 $0x0, s1;
	[sflag:s0] =	ssyncset.done @!p0 $0x0  }
0x1bc: {  	[sflag:s0] =	ssyncadd.s32 @!p0 s1  }
0x1bd: {  	[bflag:$0x3] =	sbarrier.arrive $0xFFFF  }
0x1be: {  	_ =	shalt  }

</sc_bundles>
